<compile_context>
chip_gen: v7x
topology: tpu7x:2x2x1
jax: 0.10.2.dev20260603
libtpu: 0.0.44.dev20260713+nightly
codegen_flags: <defaults>
</compile_context>

<pallas_src>
import jax
import jax.numpy as jnp
from jax import lax
from jax.experimental import pallas as pl
from jax.experimental.pallas import tpu as pltpu
from jax.experimental.pallas import tpu_sc as plsc

LANES = 16
EPS = 1e-12
N_WORKERS = 32
CHUNK = 256
NBUF = 1


def _sc_embed_ln(input_ids, word_emb, pos_emb, tgb):
    b_sz, seq_len = input_ids.shape
    emb = word_emb.shape[1]
    n_tok = b_sz * seq_len
    tpw = n_tok // N_WORKERS
    wpr = seq_len // tpw
    n_chunks = tpw // CHUNK
    n_vec = emb // LANES

    mesh = plsc.VectorSubcoreMesh(core_axis_name="c", subcore_axis_name="s")
    num_cores = mesh.num_cores

    @pl.kernel(
        mesh=mesh,
        compiler_params=pltpu.CompilerParams(needs_layout_passes=False),
        out_type=jax.ShapeDtypeStruct((b_sz, seq_len, emb), jnp.float32),
        scratch_types=[
            pltpu.VMEM((tpw,), jnp.int32),
            pltpu.VMEM((NBUF, CHUNK, emb), jnp.float32),
            pltpu.VMEM((NBUF, CHUNK, emb), jnp.float32),
            pltpu.VMEM((NBUF, CHUNK, emb), jnp.float32),
            pltpu.VMEM((3 * emb,), jnp.float32),
            pltpu.SemaphoreType.DMA,
            pltpu.SemaphoreType.DMA,
            pltpu.SemaphoreType.DMA,
            pltpu.SemaphoreType.DMA,
            pltpu.SemaphoreType.DMA,
        ],
    )
    def body(ids_hbm, word_hbm, pos_hbm, tgb_hbm,
             out_hbm, idx_v, wrows, prows, obuf, tgb_v,
             sem_in0, sem_in1, sem_out0, sem_out1, sem_misc):
        sem_in = [sem_in0, sem_in1]
        sem_out = [sem_out0, sem_out1]
        wid = lax.axis_index("s") * num_cores + lax.axis_index("c")
        brow = wid // wpr
        col = (wid % wpr) * tpw

        m1 = pltpu.async_copy(tgb_hbm, tgb_v, sem_misc)
        pltpu.sync_copy(ids_hbm.at[brow, pl.ds(col, tpw)], idx_v)

        def fire_in(k):
            slot = k % NBUF
            cws = [pltpu.async_copy(
                word_hbm.at[idx_v.at[pl.ds(k * CHUNK + j * 128, 128)]],
                wrows.at[slot, pl.ds(j * 128, 128)], sem_in[slot])
                for j in range(CHUNK // 128)]
            cp = pltpu.async_copy(
                pos_hbm.at[pl.ds(col + k * CHUNK, CHUNK)],
                prows.at[slot], sem_in[slot])
            return cws + [cp]

        in_flight = [fire_in(k) for k in range(NBUF)]
        m1.wait()

        ts = [tgb_v[pl.ds(c * LANES, LANES)] for c in range(n_vec)]
        gs = [tgb_v[pl.ds(emb + c * LANES, LANES)] for c in range(n_vec)]
        bs = [tgb_v[pl.ds(2 * emb + c * LANES, LANES)] for c in range(n_vec)]
        seed = jnp.full((LANES,), 0x5F3759DF, jnp.int32)
        bfly = [lax.iota(jnp.int32, LANES) ^ sh for sh in (8, 4, 2, 1)]
        inv_n = 1.0 / emb

        def lane_sum(x):
            for idx in bfly:
                x = x + x.at[idx].get(mode="promise_in_bounds",
                                      unique_indices=True)
            return x

        out_flight = [None] * NBUF
        for k in range(n_chunks):
            slot = k % NBUF
            for c_ in in_flight[slot]:
                c_.wait()
            if out_flight[slot] is not None:
                out_flight[slot].wait()

            w_ref = wrows.at[slot]
            p_ref = prows.at[slot]
            o_ref = obuf.at[slot]

            @plsc.parallel_loop(0, CHUNK, unroll=1)
            def token_body(i):
                xs = []
                s1 = jnp.zeros((LANES,), jnp.float32)
                s2 = jnp.zeros((LANES,), jnp.float32)
                for c in range(n_vec):
                    sl = pl.ds(c * LANES, LANES)
                    x = w_ref[i, sl] + p_ref[i, sl] + ts[c]
                    xs.append(x)
                    s1 = s1 + x
                    s2 = s2 + x * x
                mean = lane_sum(s1) * inv_n
                msq = lane_sum(s2) * inv_n
                v = msq - mean * mean + EPS
                iv = plsc.bitcast(v, jnp.int32)
                y = plsc.bitcast(seed - (iv >> 1), jnp.float32)
                for _ in range(2):
                    y = y * (1.5 - 0.5 * v * y * y)
                for c in range(n_vec):
                    o_ref[i, pl.ds(c * LANES, LANES)] = \
                        (xs[c] - mean) * y * gs[c] + bs[c]

            out_flight[slot] = pltpu.async_copy(
                o_ref, out_hbm.at[brow, pl.ds(col + k * CHUNK, CHUNK)],
                sem_out[slot])
            if k + NBUF < n_chunks:
                in_flight[slot] = fire_in(k + NBUF)

        for cp in out_flight:
            if cp is not None:
                cp.wait()

    return body(input_ids, word_emb, pos_emb, tgb)


def kernel(input_ids, word_emb, pos_emb, type_emb, gamma, beta):
    tgb = jnp.concatenate([type_emb[0], gamma, beta])
    return _sc_embed_ln(input_ids.astype(jnp.int32), word_emb, pos_emb, tgb)

# --- scband reference (transcript-rebuilt; emitter-appended) ---
"""Pipeline reference for scband-peer-embeddings-9706626089810 (READ-ONLY COPY).

The authoritative reference and input builder live on the scoring server;
editing this copy changes nothing except your own understanding.
"""

import jax, jax.numpy as jnp
import numpy as np

VOCAB = 1000000
EMB = 128
MAXPOS = 2048
TYPES = 2
B = 4
S = 2048
EPS = 1e-12
PAD = 0


def setup_inputs(seed: int = 0) -> dict:
    key = jax.random.key(seed)
    k1, k2, k3, k4 = jax.random.split(key, 4)
    input_ids = jax.random.randint(k1, (B, S), 0, VOCAB)
    word_emb = jax.random.normal(k2, (VOCAB, EMB), dtype=jnp.float32) * 0.02
    word_emb = word_emb.at[PAD].set(0.0)  # padding_idx row is zero-initialized in torch
    pos_emb = jax.random.normal(k3, (MAXPOS, EMB), dtype=jnp.float32) * 0.02
    type_emb = jax.random.normal(k4, (TYPES, EMB), dtype=jnp.float32) * 0.02
    gamma = jnp.ones((EMB,), dtype=jnp.float32)
    beta = jnp.zeros((EMB,), dtype=jnp.float32)
    return {
        "input_ids": input_ids,
        "word_emb": word_emb,
        "pos_emb": pos_emb,
        "type_emb": type_emb,
        "gamma": gamma,
        "beta": beta,
    }


def reference(input_ids, word_emb, pos_emb, type_emb, gamma, beta):
    # position_ids = buffer[:, past:seq+past], past_key_values_length = 0
    seq_len = input_ids.shape[1]
    position_ids = jnp.arange(seq_len, dtype=jnp.int64)[None, :]
    token_type_ids = jnp.zeros_like(input_ids)

    inputs_embeds = jnp.take(word_emb, input_ids, axis=0)
    token_type_embeddings = jnp.take(type_emb, token_type_ids, axis=0)
    embeddings = inputs_embeds + token_type_embeddings
    # 'absolute' in position_embedding_type
    position_embeddings = jnp.take(pos_emb, position_ids, axis=0)
    embeddings = embeddings + position_embeddings

    # LayerNorm over last dim, eps = 1e-12
    mean = jnp.mean(embeddings, axis=-1, keepdims=True)
    var = jnp.mean((embeddings - mean) ** 2, axis=-1, keepdims=True)
    embeddings = (embeddings - mean) / jnp.sqrt(var + EPS) * gamma + beta
    # dropout p=0.0 (eval) -> identity
    return embeddings

if __name__ == "__main__":
    import jax
    _d = setup_inputs()
    print(jax.jit(kernel)(*tuple(_d.values())))

</pallas_src>

<mosaic_0001>
#map = affine_map<(d0, d1) -> (0, 0)>
#map1 = affine_map<(d0, d1) -> (0)>
#map2 = affine_map<(d0, d1) -> (0, 0, 0)>
module attributes {stable_mosaic.version = 14 : i64} {
  func.func @body(%arg0: i32, %arg1: i32, %arg2: memref<4x2048xi32, #tpu.memory_space<hbm>>, %arg3: memref<1000000x128xf32, #tpu.memory_space<hbm>>, %arg4: memref<2048x128xf32, #tpu.memory_space<hbm>>, %arg5: memref<384xf32, #tpu.memory_space<hbm>>, %arg6: memref<4x2048x128xf32, #tpu.memory_space<hbm>>, %arg7: memref<256xi32, #tpu.memory_space<vmem>>, %arg8: memref<1x256x128xf32, #tpu.memory_space<vmem>>, %arg9: memref<1x256x128xf32, #tpu.memory_space<vmem>>, %arg10: memref<1x256x128xf32, #tpu.memory_space<vmem>>, %arg11: memref<384xf32, #tpu.memory_space<vmem>>, %arg12: memref<!tpu.dma_semaphore, #tpu.memory_space<semaphore_mem>>, %arg13: memref<!tpu.dma_semaphore, #tpu.memory_space<semaphore_mem>>, %arg14: memref<!tpu.dma_semaphore, #tpu.memory_space<semaphore_mem>>, %arg15: memref<!tpu.dma_semaphore, #tpu.memory_space<semaphore_mem>>, %arg16: memref<!tpu.dma_semaphore, #tpu.memory_space<semaphore_mem>>) attributes {dimension_semantics = [#tpu.dimension_semantics<core_parallel>, #tpu.dimension_semantics<subcore_parallel>], iteration_bounds = array<i64: 2, 16>, scalar_prefetch = 0 : i64, scratch_operands = 10 : i64, tpu.core_type = #tpu.core_type<sc_vector_subcore>, window_params = [{transform_indices = #map}, {transform_indices = #map}, {transform_indices = #map}, {transform_indices = #map1}, {transform_indices = #map2}]} {
    %mul3A = arith.constant 2 : i32
    %mul3A_0 = arith.muli %arg1, %mul3A : i32
    %add3A = arith.addi %mul3A_0, %arg0 : i32
    %jit3A = arith.constant 8 : i32
    %div3A = arith.divsi %add3A, %jit3A : i32
    %sign3A = arith.constant 0 : i32
    %sign3A_1 = arith.cmpi sgt, %add3A, %sign3A : i32
    %sign3A_2 = arith.extui %sign3A_1 : i1 to i32
    %sign3A_3 = arith.constant 0 : i32
    %sign3A_4 = arith.cmpi slt, %add3A, %sign3A_3 : i32
    %sign3A_5 = arith.extui %sign3A_4 : i1 to i32
    %sign3A_6 = arith.subi %sign3A_2, %sign3A_5 : i32
    %sign3A_7 = arith.constant 0 : i32
    %sign3A_8 = arith.cmpi sgt, %jit3A, %sign3A_7 : i32
    %sign3A_9 = arith.extui %sign3A_8 : i1 to i32
    %sign3A_10 = arith.constant 0 : i32
    %sign3A_11 = arith.cmpi slt, %jit3A, %sign3A_10 : i32
    %sign3A_12 = arith.extui %sign3A_11 : i1 to i32
    %sign3A_13 = arith.subi %sign3A_9, %sign3A_12 : i32
    %ne3A = arith.cmpi ne, %sign3A_6, %sign3A_13 : i32
    %rem3A = arith.remsi %add3A, %jit3A : i32
    %ne3A_14 = arith.constant 0 : i32
    %ne3A_15 = arith.cmpi ne, %rem3A, %ne3A_14 : i32
    %and3A = arith.andi %ne3A, %ne3A_15 : i1
    %sub3A = arith.constant 1 : i32
    %sub3A_16 = arith.subi %div3A, %sub3A : i32
    %select_n3A = arith.select %and3A, %sub3A_16, %div3A : i32
    %jit3A_17 = arith.constant 8 : i32
    %eq3A = arith.constant 0 : i32
    %eq3A_18 = arith.cmpi eq, %jit3A_17, %eq3A : i32
    %jit3A_19 = arith.constant 1 : i32
    %select_n3A_20 = arith.select %eq3A_18, %jit3A_19, %jit3A_17 : i32
    %rem3A_21 = arith.remsi %add3A, %select_n3A_20 : i32
    %ne3A_22 = arith.constant 0 : i32
    %ne3A_23 = arith.cmpi ne, %rem3A_21, %ne3A_22 : i32
    %lt3A = arith.constant 0 : i32
    %lt3A_24 = arith.cmpi slt, %rem3A_21, %lt3A : i32
    %lt3A_25 = arith.constant 0 : i32
    %lt3A_26 = arith.cmpi slt, %select_n3A_20, %lt3A_25 : i32
    %ne3A_27 = arith.xori %lt3A_24, %lt3A_26 : i1
    %and3A_28 = arith.andi %ne3A_27, %ne3A_23 : i1
    %add3A_29 = arith.addi %rem3A_21, %select_n3A_20 : i32
    %select_n3A_30 = arith.select %and3A_28, %add3A_29, %rem3A_21 : i32
    %mul3A_31 = arith.constant 256 : i32
    %mul3A_32 = arith.muli %select_n3A_30, %mul3A_31 : i32
    tpu.enqueue_dma source(%arg5 : memref<384xf32, #tpu.memory_space<hbm>>) target(%arg11 : memref<384xf32, #tpu.memory_space<vmem>>) target_semaphore(%arg16 : memref<!tpu.dma_semaphore, #tpu.memory_space<semaphore_mem>>)
    "tpu.region"() ({
      %run_scoped3A = tpu.sem_alloc : memref<!tpu.dma_semaphore, #tpu.memory_space<semaphore_mem>>
      %dma_start3A_198 = tpu.memref_slice %arg2[%select_n3A, %mul3A_32] : memref<4x2048xi32, #tpu.memory_space<hbm>> -> memref<1x256xi32, #tpu.memory_space<hbm>>
      %dma_start3A_199 = tpu.memref_squeeze %dma_start3A_198 : memref<1x256xi32, #tpu.memory_space<hbm>> -> memref<256xi32, #tpu.memory_space<hbm>>
      %dma_start3A_200 = tpu.memref_slice %arg2[%select_n3A, %mul3A_32] : memref<4x2048xi32, #tpu.memory_space<hbm>> -> memref<1x256xi32, #tpu.memory_space<hbm>>
      %dma_start3A_201 = tpu.memref_squeeze %dma_start3A_200 : memref<1x256xi32, #tpu.memory_space<hbm>> -> memref<256xi32, #tpu.memory_space<hbm>>
      tpu.enqueue_dma source(%dma_start3A_201 : memref<256xi32, #tpu.memory_space<hbm>>) target(%arg7 : memref<256xi32, #tpu.memory_space<vmem>>) target_semaphore(%run_scoped3A : memref<!tpu.dma_semaphore, #tpu.memory_space<semaphore_mem>>)
      %dma_wait3A_202 = tpu.memref_slice %arg2[%select_n3A, %mul3A_32] : memref<4x2048xi32, #tpu.memory_space<hbm>> -> memref<1x256xi32, #tpu.memory_space<hbm>>
      %dma_wait3A_203 = tpu.memref_squeeze %dma_wait3A_202 : memref<1x256xi32, #tpu.memory_space<hbm>> -> memref<256xi32, #tpu.memory_space<hbm>>
      %dma_wait3A_204 = tpu.memref_slice %arg2[%select_n3A, %mul3A_32] : memref<4x2048xi32, #tpu.memory_space<hbm>> -> memref<1x256xi32, #tpu.memory_space<hbm>>
      %dma_wait3A_205 = tpu.memref_squeeze %dma_wait3A_204 : memref<1x256xi32, #tpu.memory_space<hbm>> -> memref<256xi32, #tpu.memory_space<hbm>>
      tpu.wait_dma2 semaphore(%run_scoped3A : memref<!tpu.dma_semaphore, #tpu.memory_space<semaphore_mem>>) src(%dma_wait3A_205 : memref<256xi32, #tpu.memory_space<hbm>>) dst(%arg7 : memref<256xi32, #tpu.memory_space<vmem>>)
      tpu.yield
    }) : () -> ()
    %dma_start3A = arith.constant 0 : i32
    %dma_start3A_33 = arith.constant 0 : i32
    %dma_start3A_34 = arith.constant 0 : i32
    %dma_start3A_35 = tpu.memref_slice %arg8[%dma_start3A, %dma_start3A_33, %dma_start3A_34] : memref<1x256x128xf32, #tpu.memory_space<vmem>> -> memref<1x128x128xf32, #tpu.memory_space<vmem>>
    %dma_start3A_36 = tpu.memref_squeeze %dma_start3A_35 : memref<1x128x128xf32, #tpu.memory_space<vmem>> -> memref<128x128xf32, #tpu.memory_space<vmem>>
    %dma_start3A_37 = arith.constant 0 : i32
    %dma_start3A_38 = tpu.memref_slice %arg7[%dma_start3A_37] : memref<256xi32, #tpu.memory_space<vmem>> -> memref<128xi32, #tpu.memory_space<vmem>>
    %dma_start3A_39 = arith.constant 0 : i32
    %dma_start3A_40 = arith.constant 0 : i32
    %dma_start3A_41 = tpu.memref_slice %arg3[%dma_start3A_39, %dma_start3A_40] : memref<1000000x128xf32, #tpu.memory_space<hbm>> -> memref<1000000x128xf32, #tpu.memory_space<hbm>>
    tpu.enqueue_indirect_dma source(%dma_start3A_41 : memref<1000000x128xf32, #tpu.memory_space<hbm>>) target(%dma_start3A_36 : memref<128x128xf32, #tpu.memory_space<vmem>>) offsets(%dma_start3A_38 : memref<128xi32, #tpu.memory_space<vmem>>) semaphore(%arg12 : memref<!tpu.dma_semaphore, #tpu.memory_space<semaphore_mem>>)
    %dma_start3A_42 = arith.constant 0 : i32
    %dma_start3A_43 = arith.constant 128 : i32
    %dma_start3A_44 = arith.constant 0 : i32
    %dma_start3A_45 = tpu.memref_slice %arg8[%dma_start3A_42, %dma_start3A_43, %dma_start3A_44] : memref<1x256x128xf32, #tpu.memory_space<vmem>> -> memref<1x128x128xf32, #tpu.memory_space<vmem>>
    %dma_start3A_46 = tpu.memref_squeeze %dma_start3A_45 : memref<1x128x128xf32, #tpu.memory_space<vmem>> -> memref<128x128xf32, #tpu.memory_space<vmem>>
    %dma_start3A_47 = arith.constant 128 : i32
    %dma_start3A_48 = tpu.memref_slice %arg7[%dma_start3A_47] : memref<256xi32, #tpu.memory_space<vmem>> -> memref<128xi32, #tpu.memory_space<vmem>>
    %dma_start3A_49 = arith.constant 0 : i32
    %dma_start3A_50 = arith.constant 0 : i32
    %dma_start3A_51 = tpu.memref_slice %arg3[%dma_start3A_49, %dma_start3A_50] : memref<1000000x128xf32, #tpu.memory_space<hbm>> -> memref<1000000x128xf32, #tpu.memory_space<hbm>>
    tpu.enqueue_indirect_dma source(%dma_start3A_51 : memref<1000000x128xf32, #tpu.memory_space<hbm>>) target(%dma_start3A_46 : memref<128x128xf32, #tpu.memory_space<vmem>>) offsets(%dma_start3A_48 : memref<128xi32, #tpu.memory_space<vmem>>) semaphore(%arg12 : memref<!tpu.dma_semaphore, #tpu.memory_space<semaphore_mem>>)
    %add3A_52 = arith.constant 0 : i32
    %add3A_53 = arith.addi %mul3A_32, %add3A_52 : i32
    %dma_start3A_54 = arith.constant 0 : i32
    %dma_start3A_55 = arith.constant 0 : i32
    %dma_start3A_56 = arith.constant 0 : i32
    %dma_start3A_57 = tpu.memref_slice %arg9[%dma_start3A_54, %dma_start3A_55, %dma_start3A_56] : memref<1x256x128xf32, #tpu.memory_space<vmem>> -> memref<1x256x128xf32, #tpu.memory_space<vmem>>
    %dma_start3A_58 = tpu.memref_squeeze %dma_start3A_57 : memref<1x256x128xf32, #tpu.memory_space<vmem>> -> memref<256x128xf32, #tpu.memory_space<vmem>>
    %dma_start3A_59 = arith.constant 0 : i32
    %dma_start3A_60 = tpu.memref_slice %arg4[%add3A_53, %dma_start3A_59] : memref<2048x128xf32, #tpu.memory_space<hbm>> -> memref<256x128xf32, #tpu.memory_space<hbm>>
    %dma_start3A_61 = arith.constant 0 : i32
    %dma_start3A_62 = arith.constant 0 : i32
    %dma_start3A_63 = tpu.memref_slice %arg9[%dma_start3A_54, %dma_start3A_61, %dma_start3A_62] : memref<1x256x128xf32, #tpu.memory_space<vmem>> -> memref<1x256x128xf32, #tpu.memory_space<vmem>>
    %dma_start3A_64 = tpu.memref_squeeze %dma_start3A_63 : memref<1x256x128xf32, #tpu.memory_space<vmem>> -> memref<256x128xf32, #tpu.memory_space<vmem>>
    %dma_start3A_65 = arith.constant 0 : i32
    %dma_start3A_66 = tpu.memref_slice %arg4[%add3A_53, %dma_start3A_65] : memref<2048x128xf32, #tpu.memory_space<hbm>> -> memref<256x128xf32, #tpu.memory_space<hbm>>
    tpu.enqueue_dma source(%dma_start3A_66 : memref<256x128xf32, #tpu.memory_space<hbm>>) target(%dma_start3A_64 : memref<256x128xf32, #tpu.memory_space<vmem>>) target_semaphore(%arg12 : memref<!tpu.dma_semaphore, #tpu.memory_space<semaphore_mem>>)
    tpu.wait_dma2 semaphore(%arg16 : memref<!tpu.dma_semaphore, #tpu.memory_space<semaphore_mem>>) src(%arg5 : memref<384xf32, #tpu.memory_space<hbm>>) dst(%arg11 : memref<384xf32, #tpu.memory_space<vmem>>)
    %get3A = arith.constant 0 : index
    %get3A_67 = tpu.vector_load %arg11[%get3A] {strides = array<i32>} : memref<384xf32, #tpu.memory_space<vmem>>, vector<16xf32>,
    %get3A_68 = arith.constant 16 : index
    %get3A_69 = tpu.vector_load %arg11[%get3A_68] {strides = array<i32>} : memref<384xf32, #tpu.memory_space<vmem>>, vector<16xf32>,
    %get3A_70 = arith.constant 32 : index
    %get3A_71 = tpu.vector_load %arg11[%get3A_70] {strides = array<i32>} : memref<384xf32, #tpu.memory_space<vmem>>, vector<16xf32>,
    %get3A_72 = arith.constant 48 : index
    %get3A_73 = tpu.vector_load %arg11[%get3A_72] {strides = array<i32>} : memref<384xf32, #tpu.memory_space<vmem>>, vector<16xf32>,
    %get3A_74 = arith.constant 64 : index
    %get3A_75 = tpu.vector_load %arg11[%get3A_74] {strides = array<i32>} : memref<384xf32, #tpu.memory_space<vmem>>, vector<16xf32>,
    %get3A_76 = arith.constant 80 : index
    %get3A_77 = tpu.vector_load %arg11[%get3A_76] {strides = array<i32>} : memref<384xf32, #tpu.memory_space<vmem>>, vector<16xf32>,
    %get3A_78 = arith.constant 96 : index
    %get3A_79 = tpu.vector_load %arg11[%get3A_78] {strides = array<i32>} : memref<384xf32, #tpu.memory_space<vmem>>, vector<16xf32>,
    %get3A_80 = arith.constant 112 : index
    %get3A_81 = tpu.vector_load %arg11[%get3A_80] {strides = array<i32>} : memref<384xf32, #tpu.memory_space<vmem>>, vector<16xf32>,
    %get3A_82 = arith.constant 128 : index
    %get3A_83 = tpu.vector_load %arg11[%get3A_82] {strides = array<i32>} : memref<384xf32, #tpu.memory_space<vmem>>, vector<16xf32>,
    %get3A_84 = arith.constant 144 : index
    %get3A_85 = tpu.vector_load %arg11[%get3A_84] {strides = array<i32>} : memref<384xf32, #tpu.memory_space<vmem>>, vector<16xf32>,
    %get3A_86 = arith.constant 160 : index
    %get3A_87 = tpu.vector_load %arg11[%get3A_86] {strides = array<i32>} : memref<384xf32, #tpu.memory_space<vmem>>, vector<16xf32>,
    %get3A_88 = arith.constant 176 : index
    %get3A_89 = tpu.vector_load %arg11[%get3A_88] {strides = array<i32>} : memref<384xf32, #tpu.memory_space<vmem>>, vector<16xf32>,
    %get3A_90 = arith.constant 192 : index
    %get3A_91 = tpu.vector_load %arg11[%get3A_90] {strides = array<i32>} : memref<384xf32, #tpu.memory_space<vmem>>, vector<16xf32>,
    %get3A_92 = arith.constant 208 : index
    %get3A_93 = tpu.vector_load %arg11[%get3A_92] {strides = array<i32>} : memref<384xf32, #tpu.memory_space<vmem>>, vector<16xf32>,
    %get3A_94 = arith.constant 224 : index
    %get3A_95 = tpu.vector_load %arg11[%get3A_94] {strides = array<i32>} : memref<384xf32, #tpu.memory_space<vmem>>, vector<16xf32>,
    %get3A_96 = arith.constant 240 : index
    %get3A_97 = tpu.vector_load %arg11[%get3A_96] {strides = array<i32>} : memref<384xf32, #tpu.memory_space<vmem>>, vector<16xf32>,
    %get3A_98 = arith.constant 256 : index
    %get3A_99 = tpu.vector_load %arg11[%get3A_98] {strides = array<i32>} : memref<384xf32, #tpu.memory_space<vmem>>, vector<16xf32>,
    %get3A_100 = arith.constant 272 : index
    %get3A_101 = tpu.vector_load %arg11[%get3A_100] {strides = array<i32>} : memref<384xf32, #tpu.memory_space<vmem>>, vector<16xf32>,
    %get3A_102 = arith.constant 288 : index
    %get3A_103 = tpu.vector_load %arg11[%get3A_102] {strides = array<i32>} : memref<384xf32, #tpu.memory_space<vmem>>, vector<16xf32>,
    %get3A_104 = arith.constant 304 : index
    %get3A_105 = tpu.vector_load %arg11[%get3A_104] {strides = array<i32>} : memref<384xf32, #tpu.memory_space<vmem>>, vector<16xf32>,
    %get3A_106 = arith.constant 320 : index
    %get3A_107 = tpu.vector_load %arg11[%get3A_106] {strides = array<i32>} : memref<384xf32, #tpu.memory_space<vmem>>, vector<16xf32>,
    %get3A_108 = arith.constant 336 : index
    %get3A_109 = tpu.vector_load %arg11[%get3A_108] {strides = array<i32>} : memref<384xf32, #tpu.memory_space<vmem>>, vector<16xf32>,
    %get3A_110 = arith.constant 352 : index
    %get3A_111 = tpu.vector_load %arg11[%get3A_110] {strides = array<i32>} : memref<384xf32, #tpu.memory_space<vmem>>, vector<16xf32>,
    %get3A_112 = arith.constant 368 : index
    %get3A_113 = tpu.vector_load %arg11[%get3A_112] {strides = array<i32>} : memref<384xf32, #tpu.memory_space<vmem>>, vector<16xf32>,
    %broadcast_in_dim3A = arith.constant 1597463007 : i32
    %broadcast_in_dim3A_114 = vector.broadcast %broadcast_in_dim3A : i32 to vector<16xi32>
    %iota3A = tpu.iota {dimensions = array<i32: 0>} : vector<16xi32>
    %xor3A = arith.constant 8 : i32
    %xor3A_115 = vector.broadcast %xor3A : i32 to vector<16xi32>
    %xor3A_116 = arith.xori %iota3A, %xor3A_115 : vector<16xi32>
    %iota3A_117 = tpu.iota {dimensions = array<i32: 0>} : vector<16xi32>
    %xor3A_118 = arith.constant 4 : i32
    %xor3A_119 = vector.broadcast %xor3A_118 : i32 to vector<16xi32>
    %xor3A_120 = arith.xori %iota3A_117, %xor3A_119 : vector<16xi32>
    %iota3A_121 = tpu.iota {dimensions = array<i32: 0>} : vector<16xi32>
    %xor3A_122 = arith.constant 2 : i32
    %xor3A_123 = vector.broadcast %xor3A_122 : i32 to vector<16xi32>
    %xor3A_124 = arith.xori %iota3A_121, %xor3A_123 : vector<16xi32>
    %iota3A_125 = tpu.iota {dimensions = array<i32: 0>} : vector<16xi32>
    %xor3A_126 = arith.constant 1 : i32
    %xor3A_127 = vector.broadcast %xor3A_126 : i32 to vector<16xi32>
    %xor3A_128 = arith.xori %iota3A_125, %xor3A_127 : vector<16xi32>
    %dma_wait3A = arith.constant 0 : i32
    %dma_wait3A_129 = arith.constant 0 : i32
    %dma_wait3A_130 = arith.constant 0 : i32
    %dma_wait3A_131 = tpu.memref_slice %arg8[%dma_wait3A, %dma_wait3A_129, %dma_wait3A_130] : memref<1x256x128xf32, #tpu.memory_space<vmem>> -> memref<1x128x128xf32, #tpu.memory_space<vmem>>
    %dma_wait3A_132 = tpu.memref_squeeze %dma_wait3A_131 : memref<1x128x128xf32, #tpu.memory_space<vmem>> -> memref<128x128xf32, #tpu.memory_space<vmem>>
    %dma_wait3A_133 = arith.constant 0 : i32
    %dma_wait3A_134 = tpu.memref_slice %arg7[%dma_wait3A_133] : memref<256xi32, #tpu.memory_space<vmem>> -> memref<128xi32, #tpu.memory_space<vmem>>
    %dma_wait3A_135 = arith.constant 0 : i32
    %dma_wait3A_136 = arith.constant 0 : i32
    %dma_wait3A_137 = tpu.memref_slice %arg3[%dma_wait3A_135, %dma_wait3A_136] : memref<1000000x128xf32, #tpu.memory_space<hbm>> -> memref<1000000x128xf32, #tpu.memory_space<hbm>>
    tpu.wait_indirect_dma semaphore(%arg12 : memref<!tpu.dma_semaphore, #tpu.memory_space<semaphore_mem>>) src(%dma_wait3A_137 : memref<1000000x128xf32, #tpu.memory_space<hbm>>) dst(%dma_wait3A_132 : memref<128x128xf32, #tpu.memory_space<vmem>>)
    %dma_wait3A_138 = arith.constant 0 : i32
    %dma_wait3A_139 = arith.constant 128 : i32
    %dma_wait3A_140 = arith.constant 0 : i32
    %dma_wait3A_141 = tpu.memref_slice %arg8[%dma_wait3A_138, %dma_wait3A_139, %dma_wait3A_140] : memref<1x256x128xf32, #tpu.memory_space<vmem>> -> memref<1x128x128xf32, #tpu.memory_space<vmem>>
    %dma_wait3A_142 = tpu.memref_squeeze %dma_wait3A_141 : memref<1x128x128xf32, #tpu.memory_space<vmem>> -> memref<128x128xf32, #tpu.memory_space<vmem>>
    %dma_wait3A_143 = arith.constant 128 : i32
    %dma_wait3A_144 = tpu.memref_slice %arg7[%dma_wait3A_143] : memref<256xi32, #tpu.memory_space<vmem>> -> memref<128xi32, #tpu.memory_space<vmem>>
    %dma_wait3A_145 = arith.constant 0 : i32
    %dma_wait3A_146 = arith.constant 0 : i32
    %dma_wait3A_147 = tpu.memref_slice %arg3[%dma_wait3A_145, %dma_wait3A_146] : memref<1000000x128xf32, #tpu.memory_space<hbm>> -> memref<1000000x128xf32, #tpu.memory_space<hbm>>
    tpu.wait_indirect_dma semaphore(%arg12 : memref<!tpu.dma_semaphore, #tpu.memory_space<semaphore_mem>>) src(%dma_wait3A_147 : memref<1000000x128xf32, #tpu.memory_space<hbm>>) dst(%dma_wait3A_142 : memref<128x128xf32, #tpu.memory_space<vmem>>)
    %dma_wait3A_148 = arith.constant 0 : i32
    %dma_wait3A_149 = arith.constant 0 : i32
    %dma_wait3A_150 = arith.constant 0 : i32
    %dma_wait3A_151 = tpu.memref_slice %arg9[%dma_wait3A_148, %dma_wait3A_149, %dma_wait3A_150] : memref<1x256x128xf32, #tpu.memory_space<vmem>> -> memref<1x256x128xf32, #tpu.memory_space<vmem>>
    %dma_wait3A_152 = tpu.memref_squeeze %dma_wait3A_151 : memref<1x256x128xf32, #tpu.memory_space<vmem>> -> memref<256x128xf32, #tpu.memory_space<vmem>>
    %dma_wait3A_153 = arith.constant 0 : i32
    %dma_wait3A_154 = tpu.memref_slice %arg4[%add3A_53, %dma_wait3A_153] : memref<2048x128xf32, #tpu.memory_space<hbm>> -> memref<256x128xf32, #tpu.memory_space<hbm>>
    %dma_wait3A_155 = arith.constant 0 : i32
    %dma_wait3A_156 = arith.constant 0 : i32
    %dma_wait3A_157 = tpu.memref_slice %arg9[%dma_wait3A_148, %dma_wait3A_155, %dma_wait3A_156] : memref<1x256x128xf32, #tpu.memory_space<vmem>> -> memref<1x256x128xf32, #tpu.memory_space<vmem>>
    %dma_wait3A_158 = tpu.memref_squeeze %dma_wait3A_157 : memref<1x256x128xf32, #tpu.memory_space<vmem>> -> memref<256x128xf32, #tpu.memory_space<vmem>>
    %dma_wait3A_159 = arith.constant 0 : i32
    %dma_wait3A_160 = tpu.memref_slice %arg4[%add3A_53, %dma_wait3A_159] : memref<2048x128xf32, #tpu.memory_space<hbm>> -> memref<256x128xf32, #tpu.memory_space<hbm>>
    tpu.wait_dma2 semaphore(%arg12 : memref<!tpu.dma_semaphore, #tpu.memory_space<semaphore_mem>>) src(%dma_wait3A_160 : memref<256x128xf32, #tpu.memory_space<hbm>>) dst(%dma_wait3A_158 : memref<256x128xf32, #tpu.memory_space<vmem>>)
    %parallel_loop3A = arith.constant 0 : i32
    %parallel_loop3A_161 = arith.constant 256 : i32
    %parallel_loop3A_162 = arith.constant 1 : i32
    %parallel_loop3A_163 = arith.constant 0 : i32
    %parallel_loop3A_164 = arith.constant 0 : i32
    %parallel_loop3A_165 = arith.constant 0 : i32
    scf.for %parallel_loop3A_198 = %parallel_loop3A to %parallel_loop3A_161 step %parallel_loop3A_162  : i32 {
      %parallel_loop3A_199 = arith.constant 0.000000e+00 : f32
      %parallel_loop3A_200 = vector.broadcast %parallel_loop3A_199 : f32 to vector<16xf32>
      %parallel_loop3A_201 = arith.constant 0.000000e+00 : f32
      %parallel_loop3A_202 = vector.broadcast %parallel_loop3A_201 : f32 to vector<16xf32>
      %parallel_loop3A_203 = arith.constant 0 : i32
      %parallel_loop3A_204 = arith.constant 0 : i32
      %parallel_loop3A_205 = tpu.memref_slice %arg8[%parallel_loop3A_163, %parallel_loop3A_203, %parallel_loop3A_204] : memref<1x256x128xf32, #tpu.memory_space<vmem>> -> memref<1x256x128xf32, #tpu.memory_space<vmem>>
      %parallel_loop3A_206 = tpu.memref_squeeze %parallel_loop3A_205 : memref<1x256x128xf32, #tpu.memory_space<vmem>> -> memref<256x128xf32, #tpu.memory_space<vmem>>
      %parallel_loop3A_207 = arith.index_cast %parallel_loop3A_198 : i32 to index
      %parallel_loop3A_208 = arith.constant 0 : index
      %parallel_loop3A_209 = tpu.vector_load %parallel_loop3A_206[%parallel_loop3A_207, %parallel_loop3A_208] {strides = array<i32>} : memref<256x128xf32, #tpu.memory_space<vmem>>, vector<16xf32>,
      %parallel_loop3A_210 = arith.constant 0 : i32
      %parallel_loop3A_211 = arith.constant 0 : i32
      %parallel_loop3A_212 = tpu.memref_slice %arg9[%parallel_loop3A_164, %parallel_loop3A_210, %parallel_loop3A_211] : memref<1x256x128xf32, #tpu.memory_space<vmem>> -> memref<1x256x128xf32, #tpu.memory_space<vmem>>
      %parallel_loop3A_213 = tpu.memref_squeeze %parallel_loop3A_212 : memref<1x256x128xf32, #tpu.memory_space<vmem>> -> memref<256x128xf32, #tpu.memory_space<vmem>>
      %parallel_loop3A_214 = arith.index_cast %parallel_loop3A_198 : i32 to index
      %parallel_loop3A_215 = arith.constant 0 : index
      %parallel_loop3A_216 = tpu.vector_load %parallel_loop3A_213[%parallel_loop3A_214, %parallel_loop3A_215] {strides = array<i32>} : memref<256x128xf32, #tpu.memory_space<vmem>>, vector<16xf32>,
      %parallel_loop3A_217 = arith.addf %parallel_loop3A_209, %parallel_loop3A_216 : vector<16xf32>
      %parallel_loop3A_218 = arith.addf %parallel_loop3A_217, %get3A_67 : vector<16xf32>
      %parallel_loop3A_219 = arith.addf %parallel_loop3A_200, %parallel_loop3A_218 : vector<16xf32>
      %parallel_loop3A_220 = arith.mulf %parallel_loop3A_218, %parallel_loop3A_218 : vector<16xf32>
      %parallel_loop3A_221 = arith.addf %parallel_loop3A_202, %parallel_loop3A_220 : vector<16xf32>
      %parallel_loop3A_222 = arith.constant 0 : i32
      %parallel_loop3A_223 = arith.constant 0 : i32
      %parallel_loop3A_224 = tpu.memref_slice %arg8[%parallel_loop3A_163, %parallel_loop3A_222, %parallel_loop3A_223] : memref<1x256x128xf32, #tpu.memory_space<vmem>> -> memref<1x256x128xf32, #tpu.memory_space<vmem>>
      %parallel_loop3A_225 = tpu.memref_squeeze %parallel_loop3A_224 : memref<1x256x128xf32, #tpu.memory_space<vmem>> -> memref<256x128xf32, #tpu.memory_space<vmem>>
      %parallel_loop3A_226 = arith.index_cast %parallel_loop3A_198 : i32 to index
      %parallel_loop3A_227 = arith.constant 16 : index
      %parallel_loop3A_228 = tpu.vector_load %parallel_loop3A_225[%parallel_loop3A_226, %parallel_loop3A_227] {strides = array<i32>} : memref<256x128xf32, #tpu.memory_space<vmem>>, vector<16xf32>,
      %parallel_loop3A_229 = arith.constant 0 : i32
      %parallel_loop3A_230 = arith.constant 0 : i32
      %parallel_loop3A_231 = tpu.memref_slice %arg9[%parallel_loop3A_164, %parallel_loop3A_229, %parallel_loop3A_230] : memref<1x256x128xf32, #tpu.memory_space<vmem>> -> memref<1x256x128xf32, #tpu.memory_space<vmem>>
      %parallel_loop3A_232 = tpu.memref_squeeze %parallel_loop3A_231 : memref<1x256x128xf32, #tpu.memory_space<vmem>> -> memref<256x128xf32, #tpu.memory_space<vmem>>
      %parallel_loop3A_233 = arith.index_cast %parallel_loop3A_198 : i32 to index
      %parallel_loop3A_234 = arith.constant 16 : index
      %parallel_loop3A_235 = tpu.vector_load %parallel_loop3A_232[%parallel_loop3A_233, %parallel_loop3A_234] {strides = array<i32>} : memref<256x128xf32, #tpu.memory_space<vmem>>, vector<16xf32>,
      %parallel_loop3A_236 = arith.addf %parallel_loop3A_228, %parallel_loop3A_235 : vector<16xf32>
      %parallel_loop3A_237 = arith.addf %parallel_loop3A_236, %get3A_69 : vector<16xf32>
      %parallel_loop3A_238 = arith.addf %parallel_loop3A_219, %parallel_loop3A_237 : vector<16xf32>
      %parallel_loop3A_239 = arith.mulf %parallel_loop3A_237, %parallel_loop3A_237 : vector<16xf32>
      %parallel_loop3A_240 = arith.addf %parallel_loop3A_221, %parallel_loop3A_239 : vector<16xf32>
      %parallel_loop3A_241 = arith.constant 0 : i32
      %parallel_loop3A_242 = arith.constant 0 : i32
      %parallel_loop3A_243 = tpu.memref_slice %arg8[%parallel_loop3A_163, %parallel_loop3A_241, %parallel_loop3A_242] : memref<1x256x128xf32, #tpu.memory_space<vmem>> -> memref<1x256x128xf32, #tpu.memory_space<vmem>>
      %parallel_loop3A_244 = tpu.memref_squeeze %parallel_loop3A_243 : memref<1x256x128xf32, #tpu.memory_space<vmem>> -> memref<256x128xf32, #tpu.memory_space<vmem>>
      %parallel_loop3A_245 = arith.index_cast %parallel_loop3A_198 : i32 to index
      %parallel_loop3A_246 = arith.constant 32 : index
      %parallel_loop3A_247 = tpu.vector_load %parallel_loop3A_244[%parallel_loop3A_245, %parallel_loop3A_246] {strides = array<i32>} : memref<256x128xf32, #tpu.memory_space<vmem>>, vector<16xf32>,
      %parallel_loop3A_248 = arith.constant 0 : i32
      %parallel_loop3A_249 = arith.constant 0 : i32
      %parallel_loop3A_250 = tpu.memref_slice %arg9[%parallel_loop3A_164, %parallel_loop3A_248, %parallel_loop3A_249] : memref<1x256x128xf32, #tpu.memory_space<vmem>> -> memref<1x256x128xf32, #tpu.memory_space<vmem>>
      %parallel_loop3A_251 = tpu.memref_squeeze %parallel_loop3A_250 : memref<1x256x128xf32, #tpu.memory_space<vmem>> -> memref<256x128xf32, #tpu.memory_space<vmem>>
      %parallel_loop3A_252 = arith.index_cast %parallel_loop3A_198 : i32 to index
      %parallel_loop3A_253 = arith.constant 32 : index
      %parallel_loop3A_254 = tpu.vector_load %parallel_loop3A_251[%parallel_loop3A_252, %parallel_loop3A_253] {strides = array<i32>} : memref<256x128xf32, #tpu.memory_space<vmem>>, vector<16xf32>,
      %parallel_loop3A_255 = arith.addf %parallel_loop3A_247, %parallel_loop3A_254 : vector<16xf32>
      %parallel_loop3A_256 = arith.addf %parallel_loop3A_255, %get3A_71 : vector<16xf32>
      %parallel_loop3A_257 = arith.addf %parallel_loop3A_238, %parallel_loop3A_256 : vector<16xf32>
      %parallel_loop3A_258 = arith.mulf %parallel_loop3A_256, %parallel_loop3A_256 : vector<16xf32>
      %parallel_loop3A_259 = arith.addf %parallel_loop3A_240, %parallel_loop3A_258 : vector<16xf32>
      %parallel_loop3A_260 = arith.constant 0 : i32
      %parallel_loop3A_261 = arith.constant 0 : i32
      %parallel_loop3A_262 = tpu.memref_slice %arg8[%parallel_loop3A_163, %parallel_loop3A_260, %parallel_loop3A_261] : memref<1x256x128xf32, #tpu.memory_space<vmem>> -> memref<1x256x128xf32, #tpu.memory_space<vmem>>
      %parallel_loop3A_263 = tpu.memref_squeeze %parallel_loop3A_262 : memref<1x256x128xf32, #tpu.memory_space<vmem>> -> memref<256x128xf32, #tpu.memory_space<vmem>>
      %parallel_loop3A_264 = arith.index_cast %parallel_loop3A_198 : i32 to index
      %parallel_loop3A_265 = arith.constant 48 : index
      %parallel_loop3A_266 = tpu.vector_load %parallel_loop3A_263[%parallel_loop3A_264, %parallel_loop3A_265] {strides = array<i32>} : memref<256x128xf32, #tpu.memory_space<vmem>>, vector<16xf32>,
      %parallel_loop3A_267 = arith.constant 0 : i32
      %parallel_loop3A_268 = arith.constant 0 : i32
      %parallel_loop3A_269 = tpu.memref_slice %arg9[%parallel_loop3A_164, %parallel_loop3A_267, %parallel_loop3A_268] : memref<1x256x128xf32, #tpu.memory_space<vmem>> -> memref<1x256x128xf32, #tpu.memory_space<vmem>>
      %parallel_loop3A_270 = tpu.memref_squeeze %parallel_loop3A_269 : memref<1x256x128xf32, #tpu.memory_space<vmem>> -> memref<256x128xf32, #tpu.memory_space<vmem>>
      %parallel_loop3A_271 = arith.index_cast %parallel_loop3A_198 : i32 to index
      %parallel_loop3A_272 = arith.constant 48 : index
      %parallel_loop3A_273 = tpu.vector_load %parallel_loop3A_270[%parallel_loop3A_271, %parallel_loop3A_272] {strides = array<i32>} : memref<256x128xf32, #tpu.memory_space<vmem>>, vector<16xf32>,
      %parallel_loop3A_274 = arith.addf %parallel_loop3A_266, %parallel_loop3A_273 : vector<16xf32>
      %parallel_loop3A_275 = arith.addf %parallel_loop3A_274, %get3A_73 : vector<16xf32>
      %parallel_loop3A_276 = arith.addf %parallel_loop3A_257, %parallel_loop3A_275 : vector<16xf32>
      %parallel_loop3A_277 = arith.mulf %parallel_loop3A_275, %parallel_loop3A_275 : vector<16xf32>
      %parallel_loop3A_278 = arith.addf %parallel_loop3A_259, %parallel_loop3A_277 : vector<16xf32>
      %parallel_loop3A_279 = arith.constant 0 : i32
      %parallel_loop3A_280 = arith.constant 0 : i32
      %parallel_loop3A_281 = tpu.memref_slice %arg8[%parallel_loop3A_163, %parallel_loop3A_279, %parallel_loop3A_280] : memref<1x256x128xf32, #tpu.memory_space<vmem>> -> memref<1x256x128xf32, #tpu.memory_space<vmem>>
      %parallel_loop3A_282 = tpu.memref_squeeze %parallel_loop3A_281 : memref<1x256x128xf32, #tpu.memory_space<vmem>> -> memref<256x128xf32, #tpu.memory_space<vmem>>
      %parallel_loop3A_283 = arith.index_cast %parallel_loop3A_198 : i32 to index
      %parallel_loop3A_284 = arith.constant 64 : index
      %parallel_loop3A_285 = tpu.vector_load %parallel_loop3A_282[%parallel_loop3A_283, %parallel_loop3A_284] {strides = array<i32>} : memref<256x128xf32, #tpu.memory_space<vmem>>, vector<16xf32>,
      %parallel_loop3A_286 = arith.constant 0 : i32
      %parallel_loop3A_287 = arith.constant 0 : i32
      %parallel_loop3A_288 = tpu.memref_slice %arg9[%parallel_loop3A_164, %parallel_loop3A_286, %parallel_loop3A_287] : memref<1x256x128xf32, #tpu.memory_space<vmem>> -> memref<1x256x128xf32, #tpu.memory_space<vmem>>
      %parallel_loop3A_289 = tpu.memref_squeeze %parallel_loop3A_288 : memref<1x256x128xf32, #tpu.memory_space<vmem>> -> memref<256x128xf32, #tpu.memory_space<vmem>>
      %parallel_loop3A_290 = arith.index_cast %parallel_loop3A_198 : i32 to index
      %parallel_loop3A_291 = arith.constant 64 : index
      %parallel_loop3A_292 = tpu.vector_load %parallel_loop3A_289[%parallel_loop3A_290, %parallel_loop3A_291] {strides = array<i32>} : memref<256x128xf32, #tpu.memory_space<vmem>>, vector<16xf32>,
      %parallel_loop3A_293 = arith.addf %parallel_loop3A_285, %parallel_loop3A_292 : vector<16xf32>
      %parallel_loop3A_294 = arith.addf %parallel_loop3A_293, %get3A_75 : vector<16xf32>
      %parallel_loop3A_295 = arith.addf %parallel_loop3A_276, %parallel_loop3A_294 : vector<16xf32>
      %parallel_loop3A_296 = arith.mulf %parallel_loop3A_294, %parallel_loop3A_294 : vector<16xf32>
      %parallel_loop3A_297 = arith.addf %parallel_loop3A_278, %parallel_loop3A_296 : vector<16xf32>
      %parallel_loop3A_298 = arith.constant 0 : i32
      %parallel_loop3A_299 = arith.constant 0 : i32
      %parallel_loop3A_300 = tpu.memref_slice %arg8[%parallel_loop3A_163, %parallel_loop3A_298, %parallel_loop3A_299] : memref<1x256x128xf32, #tpu.memory_space<vmem>> -> memref<1x256x128xf32, #tpu.memory_space<vmem>>
      %parallel_loop3A_301 = tpu.memref_squeeze %parallel_loop3A_300 : memref<1x256x128xf32, #tpu.memory_space<vmem>> -> memref<256x128xf32, #tpu.memory_space<vmem>>
      %parallel_loop3A_302 = arith.index_cast %parallel_loop3A_198 : i32 to index
      %parallel_loop3A_303 = arith.constant 80 : index
      %parallel_loop3A_304 = tpu.vector_load %parallel_loop3A_301[%parallel_loop3A_302, %parallel_loop3A_303] {strides = array<i32>} : memref<256x128xf32, #tpu.memory_space<vmem>>, vector<16xf32>,
      %parallel_loop3A_305 = arith.constant 0 : i32
      %parallel_loop3A_306 = arith.constant 0 : i32
      %parallel_loop3A_307 = tpu.memref_slice %arg9[%parallel_loop3A_164, %parallel_loop3A_305, %parallel_loop3A_306] : memref<1x256x128xf32, #tpu.memory_space<vmem>> -> memref<1x256x128xf32, #tpu.memory_space<vmem>>
      %parallel_loop3A_308 = tpu.memref_squeeze %parallel_loop3A_307 : memref<1x256x128xf32, #tpu.memory_space<vmem>> -> memref<256x128xf32, #tpu.memory_space<vmem>>
      %parallel_loop3A_309 = arith.index_cast %parallel_loop3A_198 : i32 to index
      %parallel_loop3A_310 = arith.constant 80 : index
      %parallel_loop3A_311 = tpu.vector_load %parallel_loop3A_308[%parallel_loop3A_309, %parallel_loop3A_310] {strides = array<i32>} : memref<256x128xf32, #tpu.memory_space<vmem>>, vector<16xf32>,
      %parallel_loop3A_312 = arith.addf %parallel_loop3A_304, %parallel_loop3A_311 : vector<16xf32>
      %parallel_loop3A_313 = arith.addf %parallel_loop3A_312, %get3A_77 : vector<16xf32>
      %parallel_loop3A_314 = arith.addf %parallel_loop3A_295, %parallel_loop3A_313 : vector<16xf32>
      %parallel_loop3A_315 = arith.mulf %parallel_loop3A_313, %parallel_loop3A_313 : vector<16xf32>
      %parallel_loop3A_316 = arith.addf %parallel_loop3A_297, %parallel_loop3A_315 : vector<16xf32>
      %parallel_loop3A_317 = arith.constant 0 : i32
      %parallel_loop3A_318 = arith.constant 0 : i32
      %parallel_loop3A_319 = tpu.memref_slice %arg8[%parallel_loop3A_163, %parallel_loop3A_317, %parallel_loop3A_318] : memref<1x256x128xf32, #tpu.memory_space<vmem>> -> memref<1x256x128xf32, #tpu.memory_space<vmem>>
      %parallel_loop3A_320 = tpu.memref_squeeze %parallel_loop3A_319 : memref<1x256x128xf32, #tpu.memory_space<vmem>> -> memref<256x128xf32, #tpu.memory_space<vmem>>
      %parallel_loop3A_321 = arith.index_cast %parallel_loop3A_198 : i32 to index
      %parallel_loop3A_322 = arith.constant 96 : index
      %parallel_loop3A_323 = tpu.vector_load %parallel_loop3A_320[%parallel_loop3A_321, %parallel_loop3A_322] {strides = array<i32>} : memref<256x128xf32, #tpu.memory_space<vmem>>, vector<16xf32>,
      %parallel_loop3A_324 = arith.constant 0 : i32
      %parallel_loop3A_325 = arith.constant 0 : i32
      %parallel_loop3A_326 = tpu.memref_slice %arg9[%parallel_loop3A_164, %parallel_loop3A_324, %parallel_loop3A_325] : memref<1x256x128xf32, #tpu.memory_space<vmem>> -> memref<1x256x128xf32, #tpu.memory_space<vmem>>
      %parallel_loop3A_327 = tpu.memref_squeeze %parallel_loop3A_326 : memref<1x256x128xf32, #tpu.memory_space<vmem>> -> memref<256x128xf32, #tpu.memory_space<vmem>>
      %parallel_loop3A_328 = arith.index_cast %parallel_loop3A_198 : i32 to index
      %parallel_loop3A_329 = arith.constant 96 : index
      %parallel_loop3A_330 = tpu.vector_load %parallel_loop3A_327[%parallel_loop3A_328, %parallel_loop3A_329] {strides = array<i32>} : memref<256x128xf32, #tpu.memory_space<vmem>>, vector<16xf32>,
      %parallel_loop3A_331 = arith.addf %parallel_loop3A_323, %parallel_loop3A_330 : vector<16xf32>
      %parallel_loop3A_332 = arith.addf %parallel_loop3A_331, %get3A_79 : vector<16xf32>
      %parallel_loop3A_333 = arith.addf %parallel_loop3A_314, %parallel_loop3A_332 : vector<16xf32>
      %parallel_loop3A_334 = arith.mulf %parallel_loop3A_332, %parallel_loop3A_332 : vector<16xf32>
      %parallel_loop3A_335 = arith.addf %parallel_loop3A_316, %parallel_loop3A_334 : vector<16xf32>
      %parallel_loop3A_336 = arith.constant 0 : i32
      %parallel_loop3A_337 = arith.constant 0 : i32
      %parallel_loop3A_338 = tpu.memref_slice %arg8[%parallel_loop3A_163, %parallel_loop3A_336, %parallel_loop3A_337] : memref<1x256x128xf32, #tpu.memory_space<vmem>> -> memref<1x256x128xf32, #tpu.memory_space<vmem>>
      %parallel_loop3A_339 = tpu.memref_squeeze %parallel_loop3A_338 : memref<1x256x128xf32, #tpu.memory_space<vmem>> -> memref<256x128xf32, #tpu.memory_space<vmem>>
      %parallel_loop3A_340 = arith.index_cast %parallel_loop3A_198 : i32 to index
      %parallel_loop3A_341 = arith.constant 112 : index
      %parallel_loop3A_342 = tpu.vector_load %parallel_loop3A_339[%parallel_loop3A_340, %parallel_loop3A_341] {strides = array<i32>} : memref<256x128xf32, #tpu.memory_space<vmem>>, vector<16xf32>,
      %parallel_loop3A_343 = arith.constant 0 : i32
      %parallel_loop3A_344 = arith.constant 0 : i32
      %parallel_loop3A_345 = tpu.memref_slice %arg9[%parallel_loop3A_164, %parallel_loop3A_343, %parallel_loop3A_344] : memref<1x256x128xf32, #tpu.memory_space<vmem>> -> memref<1x256x128xf32, #tpu.memory_space<vmem>>
      %parallel_loop3A_346 = tpu.memref_squeeze %parallel_loop3A_345 : memref<1x256x128xf32, #tpu.memory_space<vmem>> -> memref<256x128xf32, #tpu.memory_space<vmem>>
      %parallel_loop3A_347 = arith.index_cast %parallel_loop3A_198 : i32 to index
      %parallel_loop3A_348 = arith.constant 112 : index
      %parallel_loop3A_349 = tpu.vector_load %parallel_loop3A_346[%parallel_loop3A_347, %parallel_loop3A_348] {strides = array<i32>} : memref<256x128xf32, #tpu.memory_space<vmem>>, vector<16xf32>,
      %parallel_loop3A_350 = arith.addf %parallel_loop3A_342, %parallel_loop3A_349 : vector<16xf32>
      %parallel_loop3A_351 = arith.addf %parallel_loop3A_350, %get3A_81 : vector<16xf32>
      %parallel_loop3A_352 = arith.addf %parallel_loop3A_333, %parallel_loop3A_351 : vector<16xf32>
      %parallel_loop3A_353 = arith.mulf %parallel_loop3A_351, %parallel_loop3A_351 : vector<16xf32>
      %parallel_loop3A_354 = arith.addf %parallel_loop3A_335, %parallel_loop3A_353 : vector<16xf32>
      %parallel_loop3A_355 = arith.constant 0 : i32
      %parallel_loop3A_356 = vector.broadcast %parallel_loop3A_355 : i32 to vector<16xi32>
      %parallel_loop3A_357 = arith.cmpi slt, %xor3A_116, %parallel_loop3A_356 : vector<16xi32>
      %parallel_loop3A_358 = arith.constant 16 : i32
      %parallel_loop3A_359 = vector.broadcast %parallel_loop3A_358 : i32 to vector<16xi32>
      %parallel_loop3A_360 = arith.addi %xor3A_116, %parallel_loop3A_359 : vector<16xi32>
      %parallel_loop3A_361 = arith.select %parallel_loop3A_357, %parallel_loop3A_360, %xor3A_116 : vector<16xi1>, vector<16xi32>
      %parallel_loop3A_362 = vector.shape_cast %parallel_loop3A_361 : vector<16xi32> to vector<16x1xi32>
      %parallel_loop3A_363 = vector.shape_cast %parallel_loop3A_362 : vector<16x1xi32> to vector<16xi32>
      %parallel_loop3A_364 = tpu.dynamic_gather %parallel_loop3A_352[%parallel_loop3A_363] in [0] : vector<16xf32>, vector<16xi32> -> vector<16xf32>
      %parallel_loop3A_365 = arith.addf %parallel_loop3A_352, %parallel_loop3A_364 : vector<16xf32>
      %parallel_loop3A_366 = arith.constant 0 : i32
      %parallel_loop3A_367 = vector.broadcast %parallel_loop3A_366 : i32 to vector<16xi32>
      %parallel_loop3A_368 = arith.cmpi slt, %xor3A_120, %parallel_loop3A_367 : vector<16xi32>
      %parallel_loop3A_369 = arith.constant 16 : i32
      %parallel_loop3A_370 = vector.broadcast %parallel_loop3A_369 : i32 to vector<16xi32>
      %parallel_loop3A_371 = arith.addi %xor3A_120, %parallel_loop3A_370 : vector<16xi32>
      %parallel_loop3A_372 = arith.select %parallel_loop3A_368, %parallel_loop3A_371, %xor3A_120 : vector<16xi1>, vector<16xi32>
      %parallel_loop3A_373 = vector.shape_cast %parallel_loop3A_372 : vector<16xi32> to vector<16x1xi32>
      %parallel_loop3A_374 = vector.shape_cast %parallel_loop3A_373 : vector<16x1xi32> to vector<16xi32>
      %parallel_loop3A_375 = tpu.dynamic_gather %parallel_loop3A_365[%parallel_loop3A_374] in [0] : vector<16xf32>, vector<16xi32> -> vector<16xf32>
      %parallel_loop3A_376 = arith.addf %parallel_loop3A_365, %parallel_loop3A_375 : vector<16xf32>
      %parallel_loop3A_377 = arith.constant 0 : i32
      %parallel_loop3A_378 = vector.broadcast %parallel_loop3A_377 : i32 to vector<16xi32>
      %parallel_loop3A_379 = arith.cmpi slt, %xor3A_124, %parallel_loop3A_378 : vector<16xi32>
      %parallel_loop3A_380 = arith.constant 16 : i32
      %parallel_loop3A_381 = vector.broadcast %parallel_loop3A_380 : i32 to vector<16xi32>
      %parallel_loop3A_382 = arith.addi %xor3A_124, %parallel_loop3A_381 : vector<16xi32>
      %parallel_loop3A_383 = arith.select %parallel_loop3A_379, %parallel_loop3A_382, %xor3A_124 : vector<16xi1>, vector<16xi32>
      %parallel_loop3A_384 = vector.shape_cast %parallel_loop3A_383 : vector<16xi32> to vector<16x1xi32>
      %parallel_loop3A_385 = vector.shape_cast %parallel_loop3A_384 : vector<16x1xi32> to vector<16xi32>
      %parallel_loop3A_386 = tpu.dynamic_gather %parallel_loop3A_376[%parallel_loop3A_385] in [0] : vector<16xf32>, vector<16xi32> -> vector<16xf32>
      %parallel_loop3A_387 = arith.addf %parallel_loop3A_376, %parallel_loop3A_386 : vector<16xf32>
      %parallel_loop3A_388 = arith.constant 0 : i32
      %parallel_loop3A_389 = vector.broadcast %parallel_loop3A_388 : i32 to vector<16xi32>
      %parallel_loop3A_390 = arith.cmpi slt, %xor3A_128, %parallel_loop3A_389 : vector<16xi32>
      %parallel_loop3A_391 = arith.constant 16 : i32
      %parallel_loop3A_392 = vector.broadcast %parallel_loop3A_391 : i32 to vector<16xi32>
      %parallel_loop3A_393 = arith.addi %xor3A_128, %parallel_loop3A_392 : vector<16xi32>
      %parallel_loop3A_394 = arith.select %parallel_loop3A_390, %parallel_loop3A_393, %xor3A_128 : vector<16xi1>, vector<16xi32>
      %parallel_loop3A_395 = vector.shape_cast %parallel_loop3A_394 : vector<16xi32> to vector<16x1xi32>
      %parallel_loop3A_396 = vector.shape_cast %parallel_loop3A_395 : vector<16x1xi32> to vector<16xi32>
      %parallel_loop3A_397 = tpu.dynamic_gather %parallel_loop3A_387[%parallel_loop3A_396] in [0] : vector<16xf32>, vector<16xi32> -> vector<16xf32>
      %parallel_loop3A_398 = arith.addf %parallel_loop3A_387, %parallel_loop3A_397 : vector<16xf32>
      %parallel_loop3A_399 = arith.constant 7.812500e-03 : f32
      %parallel_loop3A_400 = vector.broadcast %parallel_loop3A_399 : f32 to vector<16xf32>
      %parallel_loop3A_401 = arith.mulf %parallel_loop3A_398, %parallel_loop3A_400 : vector<16xf32>
      %parallel_loop3A_402 = arith.constant 0 : i32
      %parallel_loop3A_403 = vector.broadcast %parallel_loop3A_402 : i32 to vector<16xi32>
      %parallel_loop3A_404 = arith.cmpi slt, %xor3A_116, %parallel_loop3A_403 : vector<16xi32>
      %parallel_loop3A_405 = arith.constant 16 : i32
      %parallel_loop3A_406 = vector.broadcast %parallel_loop3A_405 : i32 to vector<16xi32>
      %parallel_loop3A_407 = arith.addi %xor3A_116, %parallel_loop3A_406 : vector<16xi32>
      %parallel_loop3A_408 = arith.select %parallel_loop3A_404, %parallel_loop3A_407, %xor3A_116 : vector<16xi1>, vector<16xi32>
      %parallel_loop3A_409 = vector.shape_cast %parallel_loop3A_408 : vector<16xi32> to vector<16x1xi32>
      %parallel_loop3A_410 = vector.shape_cast %parallel_loop3A_409 : vector<16x1xi32> to vector<16xi32>
      %parallel_loop3A_411 = tpu.dynamic_gather %parallel_loop3A_354[%parallel_loop3A_410] in [0] : vector<16xf32>, vector<16xi32> -> vector<16xf32>
      %parallel_loop3A_412 = arith.addf %parallel_loop3A_354, %parallel_loop3A_411 : vector<16xf32>
      %parallel_loop3A_413 = arith.constant 0 : i32
      %parallel_loop3A_414 = vector.broadcast %parallel_loop3A_413 : i32 to vector<16xi32>
      %parallel_loop3A_415 = arith.cmpi slt, %xor3A_120, %parallel_loop3A_414 : vector<16xi32>
      %parallel_loop3A_416 = arith.constant 16 : i32
      %parallel_loop3A_417 = vector.broadcast %parallel_loop3A_416 : i32 to vector<16xi32>
      %parallel_loop3A_418 = arith.addi %xor3A_120, %parallel_loop3A_417 : vector<16xi32>
      %parallel_loop3A_419 = arith.select %parallel_loop3A_415, %parallel_loop3A_418, %xor3A_120 : vector<16xi1>, vector<16xi32>
      %parallel_loop3A_420 = vector.shape_cast %parallel_loop3A_419 : vector<16xi32> to vector<16x1xi32>
      %parallel_loop3A_421 = vector.shape_cast %parallel_loop3A_420 : vector<16x1xi32> to vector<16xi32>
      %parallel_loop3A_422 = tpu.dynamic_gather %parallel_loop3A_412[%parallel_loop3A_421] in [0] : vector<16xf32>, vector<16xi32> -> vector<16xf32>
      %parallel_loop3A_423 = arith.addf %parallel_loop3A_412, %parallel_loop3A_422 : vector<16xf32>
      %parallel_loop3A_424 = arith.constant 0 : i32
      %parallel_loop3A_425 = vector.broadcast %parallel_loop3A_424 : i32 to vector<16xi32>
      %parallel_loop3A_426 = arith.cmpi slt, %xor3A_124, %parallel_loop3A_425 : vector<16xi32>
      %parallel_loop3A_427 = arith.constant 16 : i32
      %parallel_loop3A_428 = vector.broadcast %parallel_loop3A_427 : i32 to vector<16xi32>
      %parallel_loop3A_429 = arith.addi %xor3A_124, %parallel_loop3A_428 : vector<16xi32>
      %parallel_loop3A_430 = arith.select %parallel_loop3A_426, %parallel_loop3A_429, %xor3A_124 : vector<16xi1>, vector<16xi32>
      %parallel_loop3A_431 = vector.shape_cast %parallel_loop3A_430 : vector<16xi32> to vector<16x1xi32>
      %parallel_loop3A_432 = vector.shape_cast %parallel_loop3A_431 : vector<16x1xi32> to vector<16xi32>
      %parallel_loop3A_433 = tpu.dynamic_gather %parallel_loop3A_423[%parallel_loop3A_432] in [0] : vector<16xf32>, vector<16xi32> -> vector<16xf32>
      %parallel_loop3A_434 = arith.addf %parallel_loop3A_423, %parallel_loop3A_433 : vector<16xf32>
      %parallel_loop3A_435 = arith.constant 0 : i32
      %parallel_loop3A_436 = vector.broadcast %parallel_loop3A_435 : i32 to vector<16xi32>
      %parallel_loop3A_437 = arith.cmpi slt, %xor3A_128, %parallel_loop3A_436 : vector<16xi32>
      %parallel_loop3A_438 = arith.constant 16 : i32
      %parallel_loop3A_439 = vector.broadcast %parallel_loop3A_438 : i32 to vector<16xi32>
      %parallel_loop3A_440 = arith.addi %xor3A_128, %parallel_loop3A_439 : vector<16xi32>
      %parallel_loop3A_441 = arith.select %parallel_loop3A_437, %parallel_loop3A_440, %xor3A_128 : vector<16xi1>, vector<16xi32>
      %parallel_loop3A_442 = vector.shape_cast %parallel_loop3A_441 : vector<16xi32> to vector<16x1xi32>
      %parallel_loop3A_443 = vector.shape_cast %parallel_loop3A_442 : vector<16x1xi32> to vector<16xi32>
      %parallel_loop3A_444 = tpu.dynamic_gather %parallel_loop3A_434[%parallel_loop3A_443] in [0] : vector<16xf32>, vector<16xi32> -> vector<16xf32>
      %parallel_loop3A_445 = arith.addf %parallel_loop3A_434, %parallel_loop3A_444 : vector<16xf32>
      %parallel_loop3A_446 = arith.constant 7.812500e-03 : f32
      %parallel_loop3A_447 = vector.broadcast %parallel_loop3A_446 : f32 to vector<16xf32>
      %parallel_loop3A_448 = arith.mulf %parallel_loop3A_445, %parallel_loop3A_447 : vector<16xf32>
      %parallel_loop3A_449 = arith.mulf %parallel_loop3A_401, %parallel_loop3A_401 : vector<16xf32>
      %parallel_loop3A_450 = arith.subf %parallel_loop3A_448, %parallel_loop3A_449 : vector<16xf32>
      %parallel_loop3A_451 = arith.constant 9.99999996E-13 : f32
      %parallel_loop3A_452 = vector.broadcast %parallel_loop3A_451 : f32 to vector<16xf32>
      %parallel_loop3A_453 = arith.addf %parallel_loop3A_450, %parallel_loop3A_452 : vector<16xf32>
      %parallel_loop3A_454 = vector.bitcast %parallel_loop3A_453 : vector<16xf32> to vector<16xi32>
      %parallel_loop3A_455 = arith.constant 1 : i32
      %parallel_loop3A_456 = vector.broadcast %parallel_loop3A_455 : i32 to vector<16xi32>
      %parallel_loop3A_457 = arith.shrsi %parallel_loop3A_454, %parallel_loop3A_456 : vector<16xi32>
      %parallel_loop3A_458 = arith.subi %broadcast_in_dim3A_114, %parallel_loop3A_457 : vector<16xi32>
      %parallel_loop3A_459 = vector.bitcast %parallel_loop3A_458 : vector<16xi32> to vector<16xf32>
      %parallel_loop3A_460 = arith.constant 5.000000e-01 : f32
      %parallel_loop3A_461 = vector.broadcast %parallel_loop3A_460 : f32 to vector<16xf32>
      %parallel_loop3A_462 = arith.mulf %parallel_loop3A_461, %parallel_loop3A_453 : vector<16xf32>
      %parallel_loop3A_463 = arith.mulf %parallel_loop3A_462, %parallel_loop3A_459 : vector<16xf32>
      %parallel_loop3A_464 = arith.mulf %parallel_loop3A_463, %parallel_loop3A_459 : vector<16xf32>
      %parallel_loop3A_465 = arith.constant 1.500000e+00 : f32
      %parallel_loop3A_466 = vector.broadcast %parallel_loop3A_465 : f32 to vector<16xf32>
      %parallel_loop3A_467 = arith.subf %parallel_loop3A_466, %parallel_loop3A_464 : vector<16xf32>
      %parallel_loop3A_468 = arith.mulf %parallel_loop3A_459, %parallel_loop3A_467 : vector<16xf32>
      %parallel_loop3A_469 = arith.constant 5.000000e-01 : f32
      %parallel_loop3A_470 = vector.broadcast %parallel_loop3A_469 : f32 to vector<16xf32>
      %parallel_loop3A_471 = arith.mulf %parallel_loop3A_470, %parallel_loop3A_453 : vector<16xf32>
      %parallel_loop3A_472 = arith.mulf %parallel_loop3A_471, %parallel_loop3A_468 : vector<16xf32>
      %parallel_loop3A_473 = arith.mulf %parallel_loop3A_472, %parallel_loop3A_468 : vector<16xf32>
      %parallel_loop3A_474 = arith.constant 1.500000e+00 : f32
      %parallel_loop3A_475 = vector.broadcast %parallel_loop3A_474 : f32 to vector<16xf32>
      %parallel_loop3A_476 = arith.subf %parallel_loop3A_475, %parallel_loop3A_473 : vector<16xf32>
      %parallel_loop3A_477 = arith.mulf %parallel_loop3A_468, %parallel_loop3A_476 : vector<16xf32>
      %parallel_loop3A_478 = arith.subf %parallel_loop3A_218, %parallel_loop3A_401 : vector<16xf32>
      %parallel_loop3A_479 = arith.mulf %parallel_loop3A_478, %parallel_loop3A_477 : vector<16xf32>
      %parallel_loop3A_480 = arith.mulf %parallel_loop3A_479, %get3A_83 : vector<16xf32>
      %parallel_loop3A_481 = arith.addf %parallel_loop3A_480, %get3A_99 : vector<16xf32>
      %parallel_loop3A_482 = arith.constant 0 : i32
      %parallel_loop3A_483 = arith.constant 0 : i32
      %parallel_loop3A_484 = tpu.memref_slice %arg10[%parallel_loop3A_165, %parallel_loop3A_482, %parallel_loop3A_483] : memref<1x256x128xf32, #tpu.memory_space<vmem>> -> memref<1x256x128xf32, #tpu.memory_space<vmem>>
      %parallel_loop3A_485 = tpu.memref_squeeze %parallel_loop3A_484 : memref<1x256x128xf32, #tpu.memory_space<vmem>> -> memref<256x128xf32, #tpu.memory_space<vmem>>
      %parallel_loop3A_486 = arith.index_cast %parallel_loop3A_198 : i32 to index
      %parallel_loop3A_487 = arith.constant 0 : index
      %parallel_loop3A_488 = tpu.vector_load %parallel_loop3A_485[%parallel_loop3A_486, %parallel_loop3A_487] {strides = array<i32>} : memref<256x128xf32, #tpu.memory_space<vmem>>, vector<16xf32>,
      tpu.vector_store %parallel_loop3A_485[%parallel_loop3A_486, %parallel_loop3A_487], %parallel_loop3A_481 {strides = array<i32>} : memref<256x128xf32, #tpu.memory_space<vmem>>, vector<16xf32>,
      %parallel_loop3A_489 = arith.subf %parallel_loop3A_237, %parallel_loop3A_401 : vector<16xf32>
      %parallel_loop3A_490 = arith.mulf %parallel_loop3A_489, %parallel_loop3A_477 : vector<16xf32>
      %parallel_loop3A_491 = arith.mulf %parallel_loop3A_490, %get3A_85 : vector<16xf32>
      %parallel_loop3A_492 = arith.addf %parallel_loop3A_491, %get3A_101 : vector<16xf32>
      %parallel_loop3A_493 = arith.constant 0 : i32
      %parallel_loop3A_494 = arith.constant 0 : i32
      %parallel_loop3A_495 = tpu.memref_slice %arg10[%parallel_loop3A_165, %parallel_loop3A_493, %parallel_loop3A_494] : memref<1x256x128xf32, #tpu.memory_space<vmem>> -> memref<1x256x128xf32, #tpu.memory_space<vmem>>
      %parallel_loop3A_496 = tpu.memref_squeeze %parallel_loop3A_495 : memref<1x256x128xf32, #tpu.memory_space<vmem>> -> memref<256x128xf32, #tpu.memory_space<vmem>>
      %parallel_loop3A_497 = arith.index_cast %parallel_loop3A_198 : i32 to index
      %parallel_loop3A_498 = arith.constant 16 : index
      %parallel_loop3A_499 = tpu.vector_load %parallel_loop3A_496[%parallel_loop3A_497, %parallel_loop3A_498] {strides = array<i32>} : memref<256x128xf32, #tpu.memory_space<vmem>>, vector<16xf32>,
      tpu.vector_store %parallel_loop3A_496[%parallel_loop3A_497, %parallel_loop3A_498], %parallel_loop3A_492 {strides = array<i32>} : memref<256x128xf32, #tpu.memory_space<vmem>>, vector<16xf32>,
      %parallel_loop3A_500 = arith.subf %parallel_loop3A_256, %parallel_loop3A_401 : vector<16xf32>
      %parallel_loop3A_501 = arith.mulf %parallel_loop3A_500, %parallel_loop3A_477 : vector<16xf32>
      %parallel_loop3A_502 = arith.mulf %parallel_loop3A_501, %get3A_87 : vector<16xf32>
      %parallel_loop3A_503 = arith.addf %parallel_loop3A_502, %get3A_103 : vector<16xf32>
      %parallel_loop3A_504 = arith.constant 0 : i32
      %parallel_loop3A_505 = arith.constant 0 : i32
      %parallel_loop3A_506 = tpu.memref_slice %arg10[%parallel_loop3A_165, %parallel_loop3A_504, %parallel_loop3A_505] : memref<1x256x128xf32, #tpu.memory_space<vmem>> -> memref<1x256x128xf32, #tpu.memory_space<vmem>>
      %parallel_loop3A_507 = tpu.memref_squeeze %parallel_loop3A_506 : memref<1x256x128xf32, #tpu.memory_space<vmem>> -> memref<256x128xf32, #tpu.memory_space<vmem>>
      %parallel_loop3A_508 = arith.index_cast %parallel_loop3A_198 : i32 to index
      %parallel_loop3A_509 = arith.constant 32 : index
      %parallel_loop3A_510 = tpu.vector_load %parallel_loop3A_507[%parallel_loop3A_508, %parallel_loop3A_509] {strides = array<i32>} : memref<256x128xf32, #tpu.memory_space<vmem>>, vector<16xf32>,
      tpu.vector_store %parallel_loop3A_507[%parallel_loop3A_508, %parallel_loop3A_509], %parallel_loop3A_503 {strides = array<i32>} : memref<256x128xf32, #tpu.memory_space<vmem>>, vector<16xf32>,
      %parallel_loop3A_511 = arith.subf %parallel_loop3A_275, %parallel_loop3A_401 : vector<16xf32>
      %parallel_loop3A_512 = arith.mulf %parallel_loop3A_511, %parallel_loop3A_477 : vector<16xf32>
      %parallel_loop3A_513 = arith.mulf %parallel_loop3A_512, %get3A_89 : vector<16xf32>
      %parallel_loop3A_514 = arith.addf %parallel_loop3A_513, %get3A_105 : vector<16xf32>
      %parallel_loop3A_515 = arith.constant 0 : i32
      %parallel_loop3A_516 = arith.constant 0 : i32
      %parallel_loop3A_517 = tpu.memref_slice %arg10[%parallel_loop3A_165, %parallel_loop3A_515, %parallel_loop3A_516] : memref<1x256x128xf32, #tpu.memory_space<vmem>> -> memref<1x256x128xf32, #tpu.memory_space<vmem>>
      %parallel_loop3A_518 = tpu.memref_squeeze %parallel_loop3A_517 : memref<1x256x128xf32, #tpu.memory_space<vmem>> -> memref<256x128xf32, #tpu.memory_space<vmem>>
      %parallel_loop3A_519 = arith.index_cast %parallel_loop3A_198 : i32 to index
      %parallel_loop3A_520 = arith.constant 48 : index
      %parallel_loop3A_521 = tpu.vector_load %parallel_loop3A_518[%parallel_loop3A_519, %parallel_loop3A_520] {strides = array<i32>} : memref<256x128xf32, #tpu.memory_space<vmem>>, vector<16xf32>,
      tpu.vector_store %parallel_loop3A_518[%parallel_loop3A_519, %parallel_loop3A_520], %parallel_loop3A_514 {strides = array<i32>} : memref<256x128xf32, #tpu.memory_space<vmem>>, vector<16xf32>,
      %parallel_loop3A_522 = arith.subf %parallel_loop3A_294, %parallel_loop3A_401 : vector<16xf32>
      %parallel_loop3A_523 = arith.mulf %parallel_loop3A_522, %parallel_loop3A_477 : vector<16xf32>
      %parallel_loop3A_524 = arith.mulf %parallel_loop3A_523, %get3A_91 : vector<16xf32>
      %parallel_loop3A_525 = arith.addf %parallel_loop3A_524, %get3A_107 : vector<16xf32>
      %parallel_loop3A_526 = arith.constant 0 : i32
      %parallel_loop3A_527 = arith.constant 0 : i32
      %parallel_loop3A_528 = tpu.memref_slice %arg10[%parallel_loop3A_165, %parallel_loop3A_526, %parallel_loop3A_527] : memref<1x256x128xf32, #tpu.memory_space<vmem>> -> memref<1x256x128xf32, #tpu.memory_space<vmem>>
      %parallel_loop3A_529 = tpu.memref_squeeze %parallel_loop3A_528 : memref<1x256x128xf32, #tpu.memory_space<vmem>> -> memref<256x128xf32, #tpu.memory_space<vmem>>
      %parallel_loop3A_530 = arith.index_cast %parallel_loop3A_198 : i32 to index
      %parallel_loop3A_531 = arith.constant 64 : index
      %parallel_loop3A_532 = tpu.vector_load %parallel_loop3A_529[%parallel_loop3A_530, %parallel_loop3A_531] {strides = array<i32>} : memref<256x128xf32, #tpu.memory_space<vmem>>, vector<16xf32>,
      tpu.vector_store %parallel_loop3A_529[%parallel_loop3A_530, %parallel_loop3A_531], %parallel_loop3A_525 {strides = array<i32>} : memref<256x128xf32, #tpu.memory_space<vmem>>, vector<16xf32>,
      %parallel_loop3A_533 = arith.subf %parallel_loop3A_313, %parallel_loop3A_401 : vector<16xf32>
      %parallel_loop3A_534 = arith.mulf %parallel_loop3A_533, %parallel_loop3A_477 : vector<16xf32>
      %parallel_loop3A_535 = arith.mulf %parallel_loop3A_534, %get3A_93 : vector<16xf32>
      %parallel_loop3A_536 = arith.addf %parallel_loop3A_535, %get3A_109 : vector<16xf32>
      %parallel_loop3A_537 = arith.constant 0 : i32
      %parallel_loop3A_538 = arith.constant 0 : i32
      %parallel_loop3A_539 = tpu.memref_slice %arg10[%parallel_loop3A_165, %parallel_loop3A_537, %parallel_loop3A_538] : memref<1x256x128xf32, #tpu.memory_space<vmem>> -> memref<1x256x128xf32, #tpu.memory_space<vmem>>
      %parallel_loop3A_540 = tpu.memref_squeeze %parallel_loop3A_539 : memref<1x256x128xf32, #tpu.memory_space<vmem>> -> memref<256x128xf32, #tpu.memory_space<vmem>>
      %parallel_loop3A_541 = arith.index_cast %parallel_loop3A_198 : i32 to index
      %parallel_loop3A_542 = arith.constant 80 : index
      %parallel_loop3A_543 = tpu.vector_load %parallel_loop3A_540[%parallel_loop3A_541, %parallel_loop3A_542] {strides = array<i32>} : memref<256x128xf32, #tpu.memory_space<vmem>>, vector<16xf32>,
      tpu.vector_store %parallel_loop3A_540[%parallel_loop3A_541, %parallel_loop3A_542], %parallel_loop3A_536 {strides = array<i32>} : memref<256x128xf32, #tpu.memory_space<vmem>>, vector<16xf32>,
      %parallel_loop3A_544 = arith.subf %parallel_loop3A_332, %parallel_loop3A_401 : vector<16xf32>
      %parallel_loop3A_545 = arith.mulf %parallel_loop3A_544, %parallel_loop3A_477 : vector<16xf32>
      %parallel_loop3A_546 = arith.mulf %parallel_loop3A_545, %get3A_95 : vector<16xf32>
      %parallel_loop3A_547 = arith.addf %parallel_loop3A_546, %get3A_111 : vector<16xf32>
      %parallel_loop3A_548 = arith.constant 0 : i32
      %parallel_loop3A_549 = arith.constant 0 : i32
      %parallel_loop3A_550 = tpu.memref_slice %arg10[%parallel_loop3A_165, %parallel_loop3A_548, %parallel_loop3A_549] : memref<1x256x128xf32, #tpu.memory_space<vmem>> -> memref<1x256x128xf32, #tpu.memory_space<vmem>>
      %parallel_loop3A_551 = tpu.memref_squeeze %parallel_loop3A_550 : memref<1x256x128xf32, #tpu.memory_space<vmem>> -> memref<256x128xf32, #tpu.memory_space<vmem>>
      %parallel_loop3A_552 = arith.index_cast %parallel_loop3A_198 : i32 to index
      %parallel_loop3A_553 = arith.constant 96 : index
      %parallel_loop3A_554 = tpu.vector_load %parallel_loop3A_551[%parallel_loop3A_552, %parallel_loop3A_553] {strides = array<i32>} : memref<256x128xf32, #tpu.memory_space<vmem>>, vector<16xf32>,
      tpu.vector_store %parallel_loop3A_551[%parallel_loop3A_552, %parallel_loop3A_553], %parallel_loop3A_547 {strides = array<i32>} : memref<256x128xf32, #tpu.memory_space<vmem>>, vector<16xf32>,
      %parallel_loop3A_555 = arith.subf %parallel_loop3A_351, %parallel_loop3A_401 : vector<16xf32>
      %parallel_loop3A_556 = arith.mulf %parallel_loop3A_555, %parallel_loop3A_477 : vector<16xf32>
      %parallel_loop3A_557 = arith.mulf %parallel_loop3A_556, %get3A_97 : vector<16xf32>
      %parallel_loop3A_558 = arith.addf %parallel_loop3A_557, %get3A_113 : vector<16xf32>
      %parallel_loop3A_559 = arith.constant 0 : i32
      %parallel_loop3A_560 = arith.constant 0 : i32
      %parallel_loop3A_561 = tpu.memref_slice %arg10[%parallel_loop3A_165, %parallel_loop3A_559, %parallel_loop3A_560] : memref<1x256x128xf32, #tpu.memory_space<vmem>> -> memref<1x256x128xf32, #tpu.memory_space<vmem>>
      %parallel_loop3A_562 = tpu.memref_squeeze %parallel_loop3A_561 : memref<1x256x128xf32, #tpu.memory_space<vmem>> -> memref<256x128xf32, #tpu.memory_space<vmem>>
      %parallel_loop3A_563 = arith.index_cast %parallel_loop3A_198 : i32 to index
      %parallel_loop3A_564 = arith.constant 112 : index
      %parallel_loop3A_565 = tpu.vector_load %parallel_loop3A_562[%parallel_loop3A_563, %parallel_loop3A_564] {strides = array<i32>} : memref<256x128xf32, #tpu.memory_space<vmem>>, vector<16xf32>,
      tpu.vector_store %parallel_loop3A_562[%parallel_loop3A_563, %parallel_loop3A_564], %parallel_loop3A_558 {strides = array<i32>} : memref<256x128xf32, #tpu.memory_space<vmem>>, vector<16xf32>,
    } {sc.loop_unroll_factor = 1 : i64, sc.parallel_access}
    %add3A_166 = arith.constant 0 : i32
    %add3A_167 = arith.addi %mul3A_32, %add3A_166 : i32
    %dma_start3A_168 = arith.constant 0 : i32
    %dma_start3A_169 = arith.constant 0 : i32
    %dma_start3A_170 = arith.constant 0 : i32
    %dma_start3A_171 = tpu.memref_slice %arg10[%dma_start3A_168, %dma_start3A_169, %dma_start3A_170] : memref<1x256x128xf32, #tpu.memory_space<vmem>> -> memref<1x256x128xf32, #tpu.memory_space<vmem>>
    %dma_start3A_172 = tpu.memref_squeeze %dma_start3A_171 : memref<1x256x128xf32, #tpu.memory_space<vmem>> -> memref<256x128xf32, #tpu.memory_space<vmem>>
    %dma_start3A_173 = arith.constant 0 : i32
    %dma_start3A_174 = tpu.memref_slice %arg6[%select_n3A, %add3A_167, %dma_start3A_173] : memref<4x2048x128xf32, #tpu.memory_space<hbm>> -> memref<1x256x128xf32, #tpu.memory_space<hbm>>
    %dma_start3A_175 = tpu.memref_squeeze %dma_start3A_174 : memref<1x256x128xf32, #tpu.memory_space<hbm>> -> memref<256x128xf32, #tpu.memory_space<hbm>>
    %dma_start3A_176 = arith.constant 0 : i32
    %dma_start3A_177 = tpu.memref_slice %arg6[%select_n3A, %add3A_167, %dma_start3A_176] : memref<4x2048x128xf32, #tpu.memory_space<hbm>> -> memref<1x256x128xf32, #tpu.memory_space<hbm>>
    %dma_start3A_178 = tpu.memref_squeeze %dma_start3A_177 : memref<1x256x128xf32, #tpu.memory_space<hbm>> -> memref<256x128xf32, #tpu.memory_space<hbm>>
    %dma_start3A_179 = arith.constant 0 : i32
    %dma_start3A_180 = arith.constant 0 : i32
    %dma_start3A_181 = tpu.memref_slice %arg10[%dma_start3A_168, %dma_start3A_179, %dma_start3A_180] : memref<1x256x128xf32, #tpu.memory_space<vmem>> -> memref<1x256x128xf32, #tpu.memory_space<vmem>>
    %dma_start3A_182 = tpu.memref_squeeze %dma_start3A_181 : memref<1x256x128xf32, #tpu.memory_space<vmem>> -> memref<256x128xf32, #tpu.memory_space<vmem>>
    tpu.enqueue_dma source(%dma_start3A_182 : memref<256x128xf32, #tpu.memory_space<vmem>>) target(%dma_start3A_178 : memref<256x128xf32, #tpu.memory_space<hbm>>) target_semaphore(%arg14 : memref<!tpu.dma_semaphore, #tpu.memory_space<semaphore_mem>>)
    %dma_wait3A_183 = arith.constant 0 : i32
    %dma_wait3A_184 = arith.constant 0 : i32
    %dma_wait3A_185 = arith.constant 0 : i32
    %dma_wait3A_186 = tpu.memref_slice %arg10[%dma_wait3A_183, %dma_wait3A_184, %dma_wait3A_185] : memref<1x256x128xf32, #tpu.memory_space<vmem>> -> memref<1x256x128xf32, #tpu.memory_space<vmem>>
    %dma_wait3A_187 = tpu.memref_squeeze %dma_wait3A_186 : memref<1x256x128xf32, #tpu.memory_space<vmem>> -> memref<256x128xf32, #tpu.memory_space<vmem>>
    %dma_wait3A_188 = arith.constant 0 : i32
    %dma_wait3A_189 = tpu.memref_slice %arg6[%select_n3A, %add3A_167, %dma_wait3A_188] : memref<4x2048x128xf32, #tpu.memory_space<hbm>> -> memref<1x256x128xf32, #tpu.memory_space<hbm>>
    %dma_wait3A_190 = tpu.memref_squeeze %dma_wait3A_189 : memref<1x256x128xf32, #tpu.memory_space<hbm>> -> memref<256x128xf32, #tpu.memory_space<hbm>>
    %dma_wait3A_191 = arith.constant 0 : i32
    %dma_wait3A_192 = tpu.memref_slice %arg6[%select_n3A, %add3A_167, %dma_wait3A_191] : memref<4x2048x128xf32, #tpu.memory_space<hbm>> -> memref<1x256x128xf32, #tpu.memory_space<hbm>>
    %dma_wait3A_193 = tpu.memref_squeeze %dma_wait3A_192 : memref<1x256x128xf32, #tpu.memory_space<hbm>> -> memref<256x128xf32, #tpu.memory_space<hbm>>
    %dma_wait3A_194 = arith.constant 0 : i32
    %dma_wait3A_195 = arith.constant 0 : i32
    %dma_wait3A_196 = tpu.memref_slice %arg10[%dma_wait3A_183, %dma_wait3A_194, %dma_wait3A_195] : memref<1x256x128xf32, #tpu.memory_space<vmem>> -> memref<1x256x128xf32, #tpu.memory_space<vmem>>
    %dma_wait3A_197 = tpu.memref_squeeze %dma_wait3A_196 : memref<1x256x128xf32, #tpu.memory_space<vmem>> -> memref<256x128xf32, #tpu.memory_space<vmem>>
    tpu.wait_dma2 semaphore(%arg14 : memref<!tpu.dma_semaphore, #tpu.memory_space<semaphore_mem>>) src(%dma_wait3A_197 : memref<256x128xf32, #tpu.memory_space<vmem>>) dst(%dma_wait3A_193 : memref<256x128xf32, #tpu.memory_space<hbm>>)
    return
  }
}

</mosaic_0001>

<sc_bundles>
// kernel: kernel.3.cloned.1.call-start
scs
__scs_entry_jumppad:
0x0: {  	(pc) =	sbr.rel $0x88, $3  }
0x1: {  	(tag) =	ssettag $0x0;
	lr =	simm.s32 $0x1  }
0x2: {  	[smem:$0x3F9B] =	sst lr;
	_ =	strace $0xD0000000  }
0x3: {  	_ = 	snop  }
0x4: {  	_ = 	snop  }
0x5: {  	_ = 	snop  }
0x6: {  	_ = 	snop  }
0x7: {  	_ = 	snop  }
__scs_overlays_trampoline_lowered:
0x8: {  	[smem:$0x3FAA] =	sst s0  }
0x9: {  	[smem:$0x3FAB] =	sst s1  }
0xa: {  	[smem:$0x3FAC] =	sst s2  }
0xb: {  	[smem:$0x3FAD] =	sst s3  }
0xc: {  	[smem:$0x3FAE] =	sst s4  }
0xd: {  	[smem:$0x3FAF] =	sst s5  }
0xe: {  	[smem:$0x3FB0] =	sst s6  }
0xf: {  	[smem:$0x3FB1] =	sst s7  }
0x10: {  	[smem:$0x3FB2] =	sst s8  }
0x11: {  	[smem:$0x3FB3] =	sst s9;
	s0 =	simm.s32 @!p0 $0x0  }
0x12: {  	s1 =	sld [smem:$0x3F99];
	s0 =	simm.s32 @p0 $0x1  }
0x13: {  	[smem:$0x3FB4] =	sst s0;
	s0 =	simm.s32 @!p1 $0x0  }
0x14: {  	s2 =	sld [smem:$0x3F98];
	s0 =	simm.s32 @p1 $0x1  }
0x15: {  	[smem:$0x3FB5] =	sst s0;
	s0 =	simm.s32 @!p2 $0x0  }
0x16: {  	s3 =	sld [smem:$0x3FDB];
	s0 =	simm.s32 @p2 $0x1  }
0x17: {  	s4 =	simm.s32 $0x1BF5;
	[smem:$0x3FB7] =	sst s0  }
0x18: {  	s0 =	sld [smem:$0x3F9A];
	_ =	swait.ge [sflag:s4], $0x0  }
0x19: {  	s7 =	sld [smem:$0x3F9B]  }
0x1a: {  	s8 =	sadd.s32 $0xFFFFE003, lr  }
0x1b: {  	s9 =	sadd.s32 $0xFFFFFEF7, lr;
	s5 =	simm.s32 $0xFFFFFFFF;
	p2 =	slt.u32 s8, $0xFFFFF086  }
0x1c: {  	p1 =	slt.u32 s9, $0xF7A;
	s5 =	simm.s32 @!p2 $0x0  }
0x1d: {  	s5 =	simm.s32 @p1 $0x1;
	p0 =	seq.s32 s7, s2  }
0x1e: {  	s7 =	smul.u32 @!p0 $0xF7A, s2;
	p2 =	seq.s32 @!p0 s5, $0x0  }
0x1f: {  	s9 =	smul.u32 $0xF7A, s1;
	s8 =	simm.s32 @!p0 $0x1BF5;
	p2 =	por !p2, p0  }
0x20: {  	[sflag:s8] =	ssyncset.s32 @!p0 $0xFFFFF086;
	s6 =	sadd.s32 @!p0 s3, s7;
	s7 =	simm.s32 @!p0 $0x108  }
0x21: {  	s3 =	sadd.s32 s3, s9;
	s6 =	sadd.s32 @!p0 $0x88, s6;
	s7 =	simm.s32 @p2 $0x1082  }
0x22: {  	[simem:s7], [sflag:s8] =	dma.local @!p0 [hbm:s6], $0xF7A  }
0x23: {  	s9 =	sor.u32 $0xD0000000, s2;
	s6 =	simm.s32 $0x108;
	_ =	swait.ge @!p0 [sflag:s8], $0x0  }
0x24: {  	s3 =	sadd.s32 $0x88, s3;
	s6 =	simm.s32 @!p1 $0x1082;
	[sflag:s4] =	ssyncset.s32 $0xFFFFF086  }
0x25: {  	[simem:s6], [sflag:s4] =	dma.local [hbm:s3], $0xF7A  }
0x26: {  	[smem:$0x3F9B] =	sst s1;
	(tag) =	ssettag s2;
	_ =	strace s9  }
0x27: {  	s1 =	sld [smem:$0x3FAB]  }
0x28: {  	s2 =	sld [smem:$0x3FAC]  }
0x29: {  	s4 =	sld [smem:$0x3FAE]  }
0x2a: {  	p0 =	seq.s32 s5, $0x0;
	s5 =	sld [smem:$0x3FAF]  }
0x2b: {  	s6 =	sld [smem:$0x3FB0]  }
0x2c: {  	s7 =	sld [smem:$0x3FB1]  }
0x2d: {  	s3 =	simm.s32 $0x108;
	s8 =	sld [smem:$0x3FB2]  }
0x2e: {  	s3 =	simm.s32 @!p0 $0x1082;
	s9 =	sld [smem:$0x3FB3]  }
0x2f: {  	lr =	sadd.s32 s0, s3;
	s0 =	sld [smem:$0x3FAA]  }
0x30: {  	s3 =	sld [smem:$0x3FAD]  }
0x31: {  	[smem:$0x3FB6] =	sst s10  }
0x32: {  	s10 =	sld [smem:$0x3FB4];
	_ =	sdelay $0x3  }
0x33: {  	p0 =	seq.s32 s10, $0x1;
	s10 =	sld [smem:$0x3FB6];
	_ =	sdelay $0x3  }
0x34: {  	[smem:$0x3FB6] =	sst s10  }
0x35: {  	s10 =	sld [smem:$0x3FB5];
	_ =	sdelay $0x3  }
0x36: {  	p1 =	seq.s32 s10, $0x1;
	s10 =	sld [smem:$0x3FB6];
	_ =	sdelay $0x3  }
0x37: {  	[smem:$0x3FB6] =	sst s10  }
0x38: {  	s10 =	sld [smem:$0x3FB7]  }
0x39: {  	_ = 	snop;
	(pc) =	sbr.ind lr, $3  }
0x3a: {  	_ = 	snop  }
0x3b: {  	_ = 	snop  }
0x3c: {  	p2 =	seq.s32 s10, $0x1;
	s10 =	sld [smem:$0x3FB6]  }
0x3d: {  	_ =	shalt  }
0x3e: {  	_ =	shalt  }
0x3f: {  	_ =	shalt  }
0x40: {  	_ =	shalt  }
0x41: {  	_ =	shalt  }
0x42: {  	_ =	shalt  }
0x43: {  	_ =	shalt  }
0x44: {  	_ =	shalt  }
0x45: {  	_ =	shalt  }
0x46: {  	_ =	shalt  }
0x47: {  	_ =	shalt  }
0x48: {  	_ =	shalt  }
0x49: {  	_ =	shalt  }
0x4a: {  	_ =	shalt  }
0x4b: {  	_ =	shalt  }
0x4c: {  	_ =	shalt  }
0x4d: {  	_ =	shalt  }
0x4e: {  	_ =	shalt  }
0x4f: {  	_ =	shalt  }
0x50: {  	_ =	shalt  }
0x51: {  	_ =	shalt  }
0x52: {  	_ =	shalt  }
0x53: {  	_ =	shalt  }
0x54: {  	_ =	shalt  }
0x55: {  	_ =	shalt  }
0x56: {  	_ =	shalt  }
0x57: {  	_ =	shalt  }
0x58: {  	_ =	shalt  }
0x59: {  	_ =	shalt  }
0x5a: {  	_ =	shalt  }
0x5b: {  	_ =	shalt  }
0x5c: {  	_ =	shalt  }
0x5d: {  	_ =	shalt  }
0x5e: {  	_ =	shalt  }
0x5f: {  	_ =	shalt  }
0x60: {  	_ =	shalt  }
0x61: {  	_ =	shalt  }
0x62: {  	_ =	shalt  }
0x63: {  	_ =	shalt  }
0x64: {  	_ =	shalt  }
0x65: {  	_ =	shalt  }
0x66: {  	_ =	shalt  }
0x67: {  	_ =	shalt  }
0x68: {  	_ =	shalt  }
0x69: {  	_ =	shalt  }
0x6a: {  	_ =	shalt  }
0x6b: {  	_ =	shalt  }
0x6c: {  	_ =	shalt  }
0x6d: {  	_ =	shalt  }
0x6e: {  	_ =	shalt  }
0x6f: {  	_ =	shalt  }
0x70: {  	_ =	shalt  }
0x71: {  	_ =	shalt  }
0x72: {  	_ =	shalt  }
0x73: {  	_ =	shalt  }
0x74: {  	_ =	shalt  }
0x75: {  	_ =	shalt  }
0x76: {  	_ =	shalt  }
0x77: {  	_ =	shalt  }
0x78: {  	_ =	shalt  }
0x79: {  	_ =	shalt  }
0x7a: {  	_ =	shalt  }
0x7b: {  	_ =	shalt  }
0x7c: {  	_ =	shalt  }
0x7d: {  	_ =	shalt  }
0x7e: {  	_ =	shalt  }
0x7f: {  	_ =	shalt  }
0x80: {  	_ =	shalt  }
0x81: {  	_ =	shalt  }
0x82: {  	_ =	shalt  }
0x83: {  	_ =	shalt  }
0x84: {  	_ =	shalt  }
0x85: {  	_ =	shalt  }
0x86: {  	_ =	shalt  }
0x87: {  	_ =	shalt  }
.Lfunc_end0:
.L_simem_size_0:
called_computation_lowered:
.L_overlay_start_0:
0x88: {  	s2 =	sld [smem:$0x3FD9]  }
0x89: {  	s3 =	sld [smem:$0x3FFE];
	_ =	sdelay $0x1  }
0x8a: {  	s1 =	srdreg.scid  }
0x8b: {  	s0 =	sand.u32 $0x1, s1  }
0x8c: {  	s17 =	sshll.u32 s0, $0xA;
	s2 =	sadd.s32 s3, s2  }
0x8d: {  	s2 =	sadd.s32 s2, s17  }
0x8e: {  	[smem:$0x3FC2] =	sst s2  }
0x8f: {  	_ = 	snop  }
0x90: {  	s2 =	sld [smem:$0x3FC9]  }
0x91: {  	s18 =	sld [smem:$0x3FC8]  }
0x92: {  	s4 =	sld [smem:$0x3FC7]  }
0x93: {  	s5 =	sld [smem:$0x3FD0];
	(tm) =	ssettm $0x1  }
0x94: {  	s6 =	sld [smem:$0x3FFB];
	_ =	sdelay $0x3  }
0x95: {  	_ =	strace s6  }
0x96: {  	s6 =	sld [smem:$0x3FFC];
	_ =	sdelay $0x3  }
0x97: {  	_ =	strace s6  }
0x98: {  	s6 =	sld [smem:$0x3FFD];
	_ =	sdelay $0x3  }
0x99: {  	_ =	strace s6  }
0x9a: {  	_ =	strace $0x8FFFFFFF  }
0x9b: {  	s19 =	sld [smem:$0x3FDB];
	_ =	sdelay $0x1  }
0x9c: {  	s7 =	simm.s32 $_scs_section_size  }
0x9d: {  	s8 =	simm.s32 $_size__tile_overlayer_lowered;
	s9 =	simm.s32 $_tile_overlayer_lowered  }
0x9e: {  	s22 =	simm.s32 $0x1BFF;
	s21 =	sshll.u32 s9, $0x1;
	s6 =	sadd.s32 s7, s19  }
0x9f: {  	s10 =	simm.s32 $0x0;
	s20 =	sshll.u32 s8, $0x1;
	s8 =	sadd.s32 s21, s6  }
0xa0: {  	[timem:s10], [sflag:s22] =	dma.local [hbm:s8], s20  }
0xa1: {  	_ =	swait.ge [sflag:s22], s20  }
0xa2: {  	s7 =	ssub.s32 $0x0, s20;
	[sflag:s22] =	ssyncset.done $0x0  }
0xa3: {  	[sflag:s22] =	ssyncadd.s32 s7;
	_ =	sdelay $0x1  }
0xa4: {  	s23 =	simm.s32 $0x1B8B  }
0xa5: {  	_ =	swait.ge [sflag:s23], $0x1  }
0xa6: {  	[sflag:s23] =	ssyncset.done $0x0  }
0xa7: {  	s25 =	simm.s32 $0x1B8E;
	s24 =	sld [smem:$0x3FFE];
	[sflag:s23] =	ssyncadd.s32 $0xFFFFFFFF  }
0xa8: {  	s26 =	simm.s32 $execute0_lowered;
	[smem:$0x3FD2] =	sst s25  }
0xa9: {  	s8 =	sshll.u32 s26, $0x1;
	_ =	strace $0x80000046;
	[dreg:$0x1] =	wrdreg $0xFFFFFFFF  }
0xaa: {  	s28 =	simm.s32 $_size_execute0_lowered;
	s6 =	sadd.s32 s6, s8;
	[dreg:$0x0] =	wrdreg $0x0  }
0xab: {  	s8 =	sshll.u32 s28, $0x1;
	[dreg:$0x2] =	wrdreg s6  }
0xac: {  	[dreg:$0x3] =	wrdreg s8  }
0xad: {  	[dreg:$0x4] =	wrdreg $0xC0  }
0xae: {  	_ =	task [dreg:s10], $0x5FFFF  }
0xaf: {  	[dreg:$0x1] =	wrdreg $0xFFFFFFFF  }
0xb0: {  	[dreg:$0x0] =	wrdreg $0x60  }
0xb1: {  	[dreg:$0x2] =	wrdreg s2  }
0xb2: {  	[dreg:$0x3] =	wrdreg s18  }
0xb3: {  	[dreg:$0x4] =	wrdreg s4  }
0xb4: {  	[dreg:$0x5] =	wrdreg s24  }
0xb5: {  	[dreg:$0x6] =	wrdreg s5  }
0xb6: {  	[dreg:$0x7] =	wrdreg $0x9  }
0xb7: {  	_ =	task.clear_ibuf [dreg:s10], $0x8FFFF;
	_ =	strace $0x90000046  }
0xb8: {  	s29 =	simm.s32 $0x9;
	_ =	strace $0x80000048  }
0xb9: {  	_ =	swait.ge [sflag:s29], $0x1  }
0xba: {  	[sflag:s29] =	ssyncadd.s32 $0xFFFFFFFF  }
0xbb: {  	_ =	strace $0x90000048  }
0xbc: {  	_ =	sfence  }
0xbd: {  	s30 =	sld [smem:$0x0];
	_ =	sdelay $0x2  }
0xbe: {  	s31 =	sshll.u32 s1, $0xD;
	s1 =	sshrl.u32 s1, $0x2  }
0xbf: {  	s3 =	sand.u32 $0x4000, s31;
	s1 =	sadd.s32 s1, s30  }
0xc0: {  	s0 =	sor.u32 s3, s0;
	s1 =	sshll.u32 s1, $0x11  }
0xc1: {  	s0 =	sor.u32 s1, s0  }
0xc2: {  	s0 =	sadd.s32 $0x8F2B, s0  }
0xc3: {  	[sflag:s0] =	ssyncadd.remote.s32 $0x1  }
0xc4: {  	_ =	sfence.sel $0xFFFF  }
0xc5: {  	[dreg:$0x0] =	wrdreg $0xFFFFFFFF;
	(pc) =	sbr.abs _section_cstart, $3  }
0xc6: {  	[dreg:$0x1] =	wrdreg $0xFFFFFFFF  }
0xc7: {  	_ =	task.clear_ibuf [dreg:s10], $0x2FFFF;
	_ =	strace $0x9FFFFFFF  }
0xc8: {  	(tm) =	ssettm $0x7FFFFFFF  }
0xc9: {  	_ =	shalt  }
tec
execute0_lowered:
.L_overlay_start_1:
0x0: {  	(tag) =	ssettag $0x1  }
0x1: {  	s5 =	rddreg [dreg:$0x0]  }
0x2: {  	s1 =	rddreg [dreg:$0x1]  }
0x3: {  	s6 =	rddreg [dreg:$0x2]  }
0x4: {  	s3 =	rddreg [dreg:$0x3]  }
0x5: {  	s7 =	rddreg [dreg:$0x4]  }
0x6: {  	s0 =	rddreg [dreg:$0x5];
	v0 =	vimm.s32 $0xFEDCBA98  }
0x7: {  	s2 =	simm.s32 $0x0;
	s8 =	srdreg.scid;
	v1 =	vimm.s32 $0x76543210;
	v2 =	vimm.s32 $0xBA98FEDC;
	v3 =	vimm.s32 $0x32107654;
	s13 =	simm.s32 $0x100  }
0x8: {  	v4 =	vimm.s32 $0xDCFE98BA;
	v5 =	vimm.s32 $0x54761032;
	s14 =	simm.s32 $0x4100;
	s15 =	simm.s32 $0x8100;
	s16 =	simm.s32 $0x3  }
0x9: {  	v6 =	vimm.s32 $0xEFCDAB89;
	v7 =	vimm.s32 $0x67452301;
	s17 =	simm.s32 $0x1;
	s18 =	simm.s32 $0x10100;
	s19 =	simm.s32 $0x2  }
0xa: {  	s20 =	simm.s32 $0x0;
	[smem:$0x7FF] =	sst s2;
	v0 =	vunpack.c.l.s4.s8 v0;
	s4 =	sadd.s32 $0x400, s3;
	v1 =	vunpack.c.l.s4.s8 v1;
	v2 =	vunpack.c.l.s4.s8 v2  }
0xb: {  	s3 =	stileid.u32;
	s8 =	sand.u32 $0x1, s8;
	v3 =	vunpack.c.l.s4.s8 v3;
	v4 =	vunpack.c.l.s4.s8 v4;
	v5 =	vunpack.c.l.s4.s8 v5;
	_ =	strace $0x80000047  }
0xc: {  	v6 =	vunpack.c.l.s4.s8 v6;
	v7 =	vunpack.c.l.s4.s8 v7;
	s9 =	ssub.s32 $0x2, s8;
	s10 =	sshll.u32 s3, $0x1;
	s12 =	sshrl.u32 s3, $0x2;
	v0 =	vunpack.c.0.s8.s32 v0  }
0xd: {  	s11 =	sshrl.u32 s9, $0x1;
	s10 =	sand.u32 $0x6, s10;
	s29 =	sshll.u32 s12, $0x4;
	v2 =	vunpack.c.0.s8.s32 v2;
	v3 =	vunpack.c.0.s8.s32 v3;
	v4 =	vunpack.c.0.s8.s32 v4  }
0xe: {  	s31 =	sshll.u32 s12, $0xF;
	v5 =	vunpack.c.0.s8.s32 v5;
	v6 =	vunpack.c.0.s8.s32 v6;
	v7 =	vunpack.c.0.s8.s32 v7;
	s12 =	simm.s32 $0x4;
	s9 =	ssub.s32 s9, s11  }
0xf: {  	v1 =	vunpack.c.0.s8.s32 v1;
	s8 =	sor.u32 s8, s10;
	s5 =	sadd.s32 s5, s29;
	s7 =	sadd.s32 s7, s31;
	v2 =	vcombine.low v3, v2  }
0x10: {  	s10 =	simm.s32 $0x80;
	s30 =	sshll.u32 s8, $0x7;
	s8 =	sshll.u32 s8, $0xC;
	v3 =	vcombine.low v5, v4;
	v4 =	vcombine.low v7, v6;
	v0 =	vand.u32 $0xF, v0  }
0x11: {  	s11 =	simm.s32 $0x200;
	s5 =	sadd.s32 s30, s5;
	s6 =	sadd.s32 s6, s8;
	v0 =	vcombine.low v0, v1  }
0x12: {  	s7 =	sadd.s32 s8, s7;
	s8 =	smax.u32 s9, $0x1;
	s9 =	simm.s32 $0x18100;
	v1 =	vand.u32 $0xF, v2;
	v2 =	vand.u32 $0xF, v3;
	v3 =	vand.u32 $0xF, v4  }
.LBB2_1:
0x13: {  	[tilespmem:s9], [sflag:$0x3] =	stream.linear.gather [hbm4b:s4+s2], $0x180, $0x38;
	[tilespmem:$0x18280] =	vst v63  }
0x14: {  	_ = 	snop  }
0x15: {  	[tilespmem:s2], [sflag:$0x4] =	stream.strided.gather [hbm4b:s5+s10], $0x100, s11, s10, $0x38;
	[tilespmem:$0x18280] =	vst v63  }
0x16: {  	_ =	swait.ge [sflag:s12], $0x100  }
0x17: {  	[sflag:s12] =	ssyncset.done $0x0  }
0x18: {  	[sflag:s12] =	ssyncadd.s32 $0xFFFFFF00  }
0x19: {  	[tilespmem:s13], [sflag:$0x1] =	stream.indirect.gather [hbm4b:s1+s10], $0x80, s2, s10, $0xb8;
	[tilespmem:$0x18280] =	vst v63  }
0x1a: {  	_ = 	snop  }
0x1b: {  	[tilespmem:s14], [sflag:$0x1] =	stream.indirect.gather [hbm4b:s1+s10], $0x80, s10, s10, $0xb8;
	[tilespmem:$0x18280] =	vst v63  }
0x1c: {  	_ = 	snop  }
0x1d: {  	[tilespmem:s15], [sflag:$0x1] =	stream.linear.gather [hbm4b:s6+s2], $0x8000, $0x38;
	[tilespmem:$0x18280] =	vst v63  }
0x1e: {  	_ =	swait.ge [sflag:s16], $0x180  }
0x1f: {  	[sflag:s16] =	ssyncset.done $0x0  }
0x20: {  	[sflag:s16] =	ssyncadd.s32 $0xFFFFFE80  }
0x21: {  	v27 =	vld [tilespmem:$0x18100]  }
0x22: {  	v26 =	vld [tilespmem:$0x18110]  }
0x23: {  	v25 =	vld [tilespmem:$0x18120]  }
0x24: {  	v24 =	vld [tilespmem:$0x18130]  }
0x25: {  	v23 =	vld [tilespmem:$0x18140]  }
0x26: {  	v22 =	vld [tilespmem:$0x18150]  }
0x27: {  	v21 =	vld [tilespmem:$0x18160]  }
0x28: {  	v20 =	vld [tilespmem:$0x18170]  }
0x29: {  	v16 =	vld [tilespmem:$0x18180]  }
0x2a: {  	v14 =	vld [tilespmem:$0x18190]  }
0x2b: {  	v13 =	vld [tilespmem:$0x181A0]  }
0x2c: {  	v10 =	vld [tilespmem:$0x181B0]  }
0x2d: {  	v8 =	vld [tilespmem:$0x181C0]  }
0x2e: {  	v5 =	vld [tilespmem:$0x181D0]  }
0x2f: {  	v4 =	vld [tilespmem:$0x181E0]  }
0x30: {  	v18 =	vld [tilespmem:$0x181F0]  }
0x31: {  	v17 =	vld [tilespmem:$0x18200]  }
0x32: {  	v15 =	vld [tilespmem:$0x18210]  }
0x33: {  	v12 =	vld [tilespmem:$0x18220]  }
0x34: {  	v11 =	vld [tilespmem:$0x18230]  }
0x35: {  	v9 =	vld [tilespmem:$0x18240]  }
0x36: {  	v7 =	vld [tilespmem:$0x18250]  }
0x37: {  	v6 =	vld [tilespmem:$0x18260]  }
0x38: {  	v19 =	vld [tilespmem:$0x18270];
	_ =	swait.ge [sflag:s17], $0x4000  }
0x39: {  	[sflag:s17] =	ssyncset.done $0x0  }
0x3a: {  	[sflag:s17] =	ssyncadd.s32 $0xFFFFC000  }
0x3b: {  	_ =	swait.ge [sflag:s17], $0x4000  }
0x3c: {  	[sflag:s17] =	ssyncset.done $0x0  }
0x3d: {  	[sflag:s17] =	ssyncadd.s32 $0xFFFFC000  }
0x3e: {  	_ =	swait.ge [sflag:s17], $0x8000  }
0x3f: {  	[sflag:s17] =	ssyncset.done $0x0  }
0x40: {  	s21 =	simm.s32 $0x0;
	[sflag:s17] =	ssyncadd.s32 $0xFFFF8000  }
0x41: {  	v29 =	vld [tilespmem:s21+$0x120]  }
0x42: {  	v28 =	vld [tilespmem:s21+$0x100]  }
0x43: {  	v30 =	vld [tilespmem:s21+$0x8100]  }
0x44: {  	v31 =	vld [tilespmem:s21+$0x110]  }
0x45: {  	v32 =	vld [tilespmem:s21+$0x8110]  }
0x46: {  	v33 =	vld [tilespmem:s21+$0x8120]  }
0x47: {  	v34 =	vld [tilespmem:s21+$0x130]  }
0x48: {  	v35 =	vld [tilespmem:s21+$0x8130]  }
0x49: {  	v36 =	vld [tilespmem:s21+$0x140]  }
0x4a: {  	v37 =	vld [tilespmem:s21+$0x8140];
	v28 =	vadd.f32 v30, v28;
	v30 =	vadd.f32 v32, v31  }
0x4b: {  	v61 =	vld [tilespmem:s21+$0x150];
	v31 =	vadd.f32 v33, v29  }
0x4c: {  	v62 =	vld [tilespmem:s21+$0x8150];
	v28 =	vadd.f32 v28, v27;
	v29 =	vadd.f32 v30, v26  }
0x4d: {  	v63 =	vld [tilespmem:s21+$0x160];
	v34 =	vadd.f32 v35, v34;
	v30 =	vadd.f32 v31, v25  }
0x4e: {  	v41 =	vld [tilespmem:s21+$0x8160];
	v38 =	vadd.f32 $0.0e+00, v28;
	v39 =	vmul.f32 v28, v28;
	v40 =	vmul.f32 v29, v29  }
0x4f: {  	v45 =	vld [tilespmem:s21+$0x170];
	v36 =	vadd.f32 v37, v36;
	v31 =	vadd.f32 v34, v24  }
0x50: {  	v42 =	vld [tilespmem:s21+$0x8170];
	v46 =	vmul.f32 v30, v30;
	v38 =	vadd.f32 v29, v38;
	v39 =	vadd.f32 v40, v39  }
0x51: {  	v32 =	vadd.f32 v62, v61;
	v34 =	vadd.f32 v36, v23  }
0x52: {  	v47 =	vmul.f32 v31, v31;
	v38 =	vadd.f32 v30, v38;
	v39 =	vadd.f32 v46, v39  }
0x53: {  	v48 =	vadd.f32 v41, v63;
	v33 =	vadd.f32 v32, v22  }
0x54: {  	v51 =	vmul.f32 v34, v34;
	v38 =	vadd.f32 v31, v38;
	v49 =	vadd.f32 v47, v39  }
0x55: {  	v37 =	vadd.f32 v42, v45;
	v32 =	vadd.f32 v48, v21  }
0x56: {  	v52 =	vmul.f32 v33, v33;
	v50 =	vadd.f32 v34, v38;
	v35 =	vadd.f32 v51, v49  }
0x57: {  	v42 =	vadd.f32 v37, v20  }
0x58: {  	v53 =	vmul.f32 v32, v32;
	v36 =	vadd.f32 v33, v50;
	v35 =	vadd.f32 v52, v35  }
0x59: {  	s22 =	simm.s32 $0x80  }
0x5a: {  	v56 =	vld [tilespmem:s22+$0x150];
	v54 =	vmul.f32 v42, v42;
	v36 =	vadd.f32 v32, v36;
	v35 =	vadd.f32 v53, v35  }
0x5b: {  	v57 =	vld [tilespmem:s22+$0x8150]  }
0x5c: {  	v59 =	vld [tilespmem:s22+$0x140];
	v36 =	vadd.f32 v42, v36;
	v35 =	vadd.f32 v54, v35  }
0x5d: {  	v60 =	vld [tilespmem:s22+$0x8140]  }
0x5e: {  	v44 =	vld [tilespmem:s22+$0x8130];
	v55 =	vperm.xlane v36, v0;
	v58 =	vperm.xlane v35, v0  }
0x5f: {  	v45 =	vld [tilespmem:s22+$0x120]  }
0x60: {  	v46 =	vld [tilespmem:s22+$0x8120];
	v36 =	vadd.f32 v36, v55;
	v35 =	vadd.f32 v58, v35  }
0x61: {  	v49 =	vld [tilespmem:s22+$0x110]  }
0x62: {  	v50 =	vld [tilespmem:s22+$0x8110];
	v43 =	vperm.xlane v36, v1;
	v62 =	vperm.xlane v35, v1  }
0x63: {  	v63 =	vld [tilespmem:s22+$0x100]  }
0x64: {  	v48 =	vld [tilespmem:s22+$0x8100];
	v36 =	vadd.f32 v36, v43;
	v35 =	vadd.f32 v62, v35  }
0x65: {  	v61 =	vld [tilespmem:s22+$0x130];
	v55 =	vadd.f32 v60, v59;
	v59 =	vadd.f32 v46, v45  }
0x66: {  	v47 =	vperm.xlane v36, v2;
	v54 =	vperm.xlane v35, v2  }
0x67: {  	v60 =	vadd.f32 v50, v49;
	v38 =	vadd.f32 v59, v25  }
0x68: {  	v36 =	vadd.f32 v36, v47;
	v35 =	vadd.f32 v54, v35  }
0x69: {  	v59 =	vld [tilespmem:s22+$0x8170];
	v47 =	vadd.f32 v57, v56;
	v57 =	vadd.f32 v48, v63  }
0x6a: {  	v58 =	vadd.f32 v44, v61;
	v63 =	vld [tilespmem:s22+$0x160];
	v51 =	vperm.xlane v36, v3;
	v56 =	vperm.xlane v35, v3  }
0x6b: {  	v39 =	vadd.f32 v60, v26;
	v37 =	vadd.f32 v57, v27;
	v57 =	vld [tilespmem:s22+$0x170]  }
0x6c: {  	v36 =	vadd.f32 v36, v51;
	v35 =	vadd.f32 v56, v35;
	v56 =	vld [tilespmem:s22+$0x8160]  }
0x6d: {  	v40 =	vadd.f32 v58, v24;
	v62 =	vadd.f32 $0.0e+00, v37;
	v54 =	vmul.f32 v37, v37  }
0x6e: {  	v45 =	vmul.f32 $7.812500000e-03, v36;
	v36 =	vadd.f32 v55, v23;
	v55 =	vmul.f32 v39, v39  }
0x6f: {  	v58 =	vmul.f32 v38, v38;
	v35 =	vmul.f32 $7.812500000e-03, v35;
	v44 =	vadd.f32 v39, v62  }
0x70: {  	v41 =	vadd.f32 v59, v57;
	v61 =	vmul.f32 v45, v45;
	v43 =	vadd.f32 v55, v54  }
0x71: {  	v44 =	vadd.f32 v38, v44;
	v46 =	vadd.f32 v56, v63  }
0x72: {  	v60 =	vmul.f32 v40, v40;
	v35 =	vsub.f32 v35, v61;
	v48 =	vadd.f32 v58, v43  }
0x73: {  	v44 =	vadd.f32 v40, v44;
	v43 =	vadd.f32 v47, v22  }
0x74: {  	v35 =	vadd.f32 $9.999999960e-13, v35;
	v48 =	vadd.f32 v60, v48  }
0x75: {  	v63 =	vmul.f32 v36, v36;
	v62 =	vadd.f32 v36, v44;
	v44 =	vadd.f32 v46, v21  }
0x76: {  	v56 =	vmul.f32 v43, v43;
	v52 =	vshra.s32 v35, $0x1;
	v35 =	vmul.f32 $5.000000000e-01, v35  }
0x77: {  	v54 =	vadd.f32 v63, v48;
	v55 =	vadd.f32 v43, v62;
	v52 =	vsub.s32 $0x5F3759DF, v52  }
0x78: {  	v41 =	vadd.f32 v41, v20;
	v61 =	vmul.f32 v52, v35  }
0x79: {  	v57 =	vmul.f32 v44, v44;
	v47 =	vadd.f32 v56, v54;
	v48 =	vadd.f32 v44, v55  }
0x7a: {  	v53 =	vmul.f32 v52, v61  }
0x7b: {  	v58 =	vmul.f32 v41, v41;
	v47 =	vadd.f32 v57, v47;
	v48 =	vadd.f32 v41, v48  }
0x7c: {  	v46 =	vsub.f32 $1.500000000e+00, v53  }
0x7d: {  	v47 =	vadd.f32 v58, v47;
	v59 =	vperm.xlane v48, v0  }
0x7e: {  	v46 =	vmul.f32 v52, v46  }
0x7f: {  	v48 =	vadd.f32 v48, v59;
	v60 =	vperm.xlane v47, v0  }
0x80: {  	s23 =	simm.s32 $0x100;
	v35 =	vmul.f32 v46, v35  }
0x81: {  	v50 =	vld [tilespmem:s23+$0x150];
	v54 =	vperm.xlane v48, v1;
	v47 =	vadd.f32 v60, v47  }
0x82: {  	v49 =	vld [tilespmem:s23+$0x130];
	v35 =	vmul.f32 v35, v46  }
0x83: {  	v51 =	vld [tilespmem:s23+$0x8150];
	v48 =	vadd.f32 v48, v54;
	v61 =	vperm.xlane v47, v1  }
0x84: {  	v28 =	vsub.f32 v28, v45;
	v55 =	vld [tilespmem:s23+$0x120];
	v35 =	vsub.f32 $1.500000000e+00, v35  }
0x85: {  	v29 =	vsub.f32 v29, v45;
	v56 =	vld [tilespmem:s23+$0x8120];
	v57 =	vperm.xlane v48, v2;
	v47 =	vadd.f32 v61, v47  }
0x86: {  	v30 =	vsub.f32 v30, v45;
	v42 =	vsub.f32 v42, v45;
	v53 =	vld [tilespmem:s23+$0x8140];
	v35 =	vmul.f32 v35, v46  }
0x87: {  	v31 =	vsub.f32 v31, v45;
	v52 =	vld [tilespmem:s23+$0x140];
	v48 =	vadd.f32 v48, v57;
	v57 =	vperm.xlane v47, v2  }
0x88: {  	v34 =	vsub.f32 v34, v45;
	v58 =	vld [tilespmem:s23+$0x8100];
	v28 =	vmul.f32 v35, v28;
	v42 =	vmul.f32 v35, v42  }
0x89: {  	v33 =	vsub.f32 v33, v45;
	v54 =	vld [tilespmem:s23+$0x100];
	v29 =	vmul.f32 v35, v29;
	v30 =	vmul.f32 v35, v30  }
0x8a: {  	v32 =	vsub.f32 v32, v45;
	v46 =	vld [tilespmem:s23+$0x8130];
	v45 =	vmul.f32 v35, v31;
	v34 =	vmul.f32 v35, v34  }
0x8b: {  	v31 =	vld [tilespmem:s23+$0x110];
	v59 =	vmul.f32 v35, v33;
	v60 =	vperm.xlane v48, v3;
	v47 =	vadd.f32 v57, v47  }
0x8c: {  	v33 =	vld [tilespmem:s23+$0x8110];
	v61 =	vmul.f32 v35, v32;
	v35 =	vadd.f32 v51, v50;
	v32 =	vadd.f32 v53, v52  }
0x8d: {  	v42 =	vmul.f32 v42, v18;
	v62 =	vadd.f32 v48, v60;
	v63 =	vperm.xlane v47, v3  }
0x8e: {  	v50 =	vmul.f32 v28, v16;
	v28 =	vadd.f32 v58, v54;
	v60 =	vadd.f32 v56, v55  }
0x8f: {  	v46 =	vadd.f32 v46, v49;
	v57 =	vadd.f32 v42, v19;
	v52 =	vmul.f32 $7.812500000e-03, v62  }
0x90: {  	v62 =	vadd.f32 v63, v47;
	v47 =	vmul.f32 v29, v14;
	v29 =	vadd.f32 v28, v27  }
0x91: {  	v51 =	vmul.f32 v30, v13;
	v28 =	vadd.f32 v32, v23;
	v31 =	vadd.f32 v33, v31  }
0x92: {  	v30 =	vadd.f32 v60, v25;
	v63 =	vmul.f32 $7.812500000e-03, v62;
	v56 =	vmul.f32 v52, v52  }
0x93: {  	v53 =	vmul.f32 v45, v10;
	v58 =	vadd.f32 $0.0e+00, v29;
	v31 =	vadd.f32 v31, v26  }
0x94: {  	v45 =	vld [tilespmem:s23+$0x160];
	v55 =	vmul.f32 v34, v8;
	v32 =	vadd.f32 v46, v24;
	v33 =	vsub.f32 v63, v56  }
0x95: {  	v54 =	vld [tilespmem:s23+$0x8160];
	v60 =	vmul.f32 v29, v29;
	v42 =	vadd.f32 v31, v58;
	v62 =	vmul.f32 v31, v31  }
0x96: {  	v49 =	vld [tilespmem:s23+$0x8170];
	v48 =	vmul.f32 v30, v30;
	v47 =	vadd.f32 v47, v15;
	v33 =	vadd.f32 $9.999999960e-13, v33  }
0x97: {  	v46 =	vld [tilespmem:s23+$0x170];
	v56 =	vmul.f32 v32, v32;
	v34 =	vadd.f32 v62, v60;
	v42 =	vadd.f32 v30, v42  }
0x98: {  	v58 =	vshra.s32 v33, $0x1;
	v60 =	vmul.f32 $5.000000000e-01, v33;
	v33 =	vadd.f32 v35, v22  }
0x99: {  	v34 =	vadd.f32 v48, v34;
	v42 =	vadd.f32 v32, v42;
	v48 =	vsub.s32 $0x5F3759DF, v58  }
0x9a: {  	v35 =	vadd.f32 v54, v45;
	v58 =	vsub.f32 v37, v52;
	v45 =	vmul.f32 v48, v60  }
0x9b: {  	v62 =	vmul.f32 v28, v28;
	v63 =	vadd.f32 v56, v34;
	v42 =	vadd.f32 v28, v42  }
0x9c: {  	v34 =	vadd.f32 v35, v21;
	v35 =	vadd.f32 v49, v46;
	v45 =	vmul.f32 v48, v45  }
0x9d: {  	v63 =	vadd.f32 v62, v63;
	v42 =	vadd.f32 v33, v42;
	v62 =	vmul.f32 v33, v33  }
0x9e: {  	v35 =	vadd.f32 v35, v20;
	v45 =	vsub.f32 $1.500000000e+00, v45  }
0x9f: {  	v46 =	vadd.f32 v62, v63;
	v42 =	vadd.f32 v34, v42;
	v63 =	vmul.f32 v34, v34  }
0xa0: {  	v37 =	vsub.f32 v40, v52;
	v56 =	vmul.f32 v59, v5;
	v54 =	vmul.f32 v48, v45  }
0xa1: {  	v62 =	vadd.f32 v63, v46;
	v46 =	vadd.f32 v35, v42;
	v63 =	vmul.f32 v35, v35  }
0xa2: {  	v59 =	vsub.f32 v39, v52;
	v49 =	vsub.f32 v38, v52;
	v45 =	vmul.f32 v54, v60  }
0xa3: {  	s24 =	simm.s32 $0x180;
	v38 =	vsub.f32 v36, v52;
	v40 =	vadd.f32 v63, v62;
	v48 =	vperm.xlane v46, v0  }
0xa4: {  	v39 =	vsub.f32 v43, v52;
	v36 =	vsub.f32 v44, v52;
	v42 =	vld [tilespmem:s24+$0x150];
	v60 =	vmul.f32 v45, v54  }
0xa5: {  	v62 =	vadd.f32 v51, v12;
	v51 =	vld [tilespmem:s24+$0x130];
	v43 =	vadd.f32 v46, v48;
	v44 =	vperm.xlane v40, v0  }
0xa6: {  	[tilespmem:s21+$0x10170] =	vst v57;
	v63 =	vadd.f32 v53, v11;
	v53 =	vld [tilespmem:s24+$0x8130];
	v57 =	vsub.f32 $1.500000000e+00, v60  }
0xa7: {  	[tilespmem:s21+$0x10110] =	vst v47;
	v45 =	vld [tilespmem:s24+$0x8150];
	v46 =	vadd.f32 v50, v17;
	v60 =	vperm.xlane v43, v1;
	v44 =	vadd.f32 v44, v40  }
0xa8: {  	v61 =	vmul.f32 v61, v4;
	v52 =	vsub.f32 v41, v52;
	v48 =	vld [tilespmem:s24+$0x140];
	[tilespmem:s21+$0x10120] =	vst v62;
	v40 =	vmul.f32 v57, v54  }
0xa9: {  	v50 =	vld [tilespmem:s24+$0x8140];
	[tilespmem:s21+$0x10100] =	vst v46;
	v46 =	vadd.f32 v55, v9;
	v43 =	vadd.f32 v43, v60;
	v57 =	vperm.xlane v44, v1  }
0xaa: {  	[tilespmem:s21+$0x10130] =	vst v63;
	v54 =	vld [tilespmem:s24+$0x120];
	v60 =	vadd.f32 v56, v7;
	v41 =	vmul.f32 v40, v58;
	v58 =	vmul.f32 v40, v52  }
0xab: {  	v56 =	vld [tilespmem:s24+$0x8120];
	[tilespmem:s21+$0x10140] =	vst v46;
	v47 =	vmul.f32 v40, v59;
	v55 =	vperm.xlane v43, v2;
	v52 =	vadd.f32 v57, v44  }
0xac: {  	s25 =	simm.s32 $0x800;
	v46 =	vmul.f32 v40, v49;
	v57 =	vld [tilespmem:s24+$0x100];
	[tilespmem:s21+$0x10150] =	vst v60;
	v44 =	vadd.f32 v61, v6;
	v49 =	vmul.f32 v58, v18  }
.LBB2_2:
0xad: {  	p0 =	sne.s32 s25, $0x1FE00;
	v58 =	vld [tilespmem:s24+$0x8100];
	v55 =	vadd.f32 v43, v55;
	v59 =	vperm.xlane v52, v2;
	v37 =	vmul.f32 v40, v37;
	v43 =	vmovc v35  }
0xae: {  	v38 =	vmul.f32 v40, v38;
	v39 =	vmul.f32 v40, v39;
	v35 =	vld [tilespmem:s24+$0x110];
	v49 =	vadd.f32 v49, v19;
	[tilespmem:s21+$0x10160] =	vst v44;
	s21 =	smov.u32 s22;
	s22 =	smov.u32 s23;
	s23 =	smov.u32 s24  }
0xaf: {  	v36 =	vmul.f32 v40, v36;
	v44 =	vld [tilespmem:s23+$0x8110];
	v60 =	vperm.xlane v55, v3;
	v52 =	vadd.f32 v59, v52  }
0xb0: {  	v40 =	vadd.f32 v45, v42;
	v41 =	vmul.f32 v41, v16;
	v47 =	vmul.f32 v47, v14;
	[tilespmem:s21+$0x10170] =	vst v49  }
0xb1: {  	v42 =	vadd.f32 v50, v48;
	v45 =	vadd.f32 v55, v60;
	v48 =	vperm.xlane v52, v3  }
0xb2: {  	v50 =	vadd.f32 v53, v51;
	v46 =	vmul.f32 v46, v13;
	v49 =	vadd.f32 v58, v57  }
0xb3: {  	v51 =	vadd.f32 v56, v54;
	v53 =	vmul.f32 $7.812500000e-03, v45;
	v45 =	vadd.f32 v48, v52  }
0xb4: {  	v48 =	vadd.f32 v49, v27;
	v35 =	vadd.f32 v44, v35;
	v44 =	vmul.f32 v37, v10  }
0xb5: {  	v42 =	vadd.f32 v42, v23;
	v37 =	vmul.f32 $7.812500000e-03, v45;
	v45 =	vmul.f32 v53, v53  }
0xb6: {  	v54 =	vmul.f32 v38, v8;
	v49 =	vadd.f32 $0.0e+00, v48;
	v52 =	vadd.f32 v35, v26  }
0xb7: {  	v55 =	vmul.f32 v39, v5;
	v38 =	vadd.f32 v51, v25;
	v35 =	vld [tilespmem:s23+$0x160];
	v37 =	vsub.f32 v37, v45  }
0xb8: {  	v39 =	vmul.f32 v48, v48;
	v45 =	vadd.f32 v52, v49;
	v49 =	vmul.f32 v52, v52;
	v51 =	vld [tilespmem:s23+$0x8160]  }
0xb9: {  	v50 =	vadd.f32 v50, v24;
	v58 =	vmul.f32 v36, v4;
	v56 =	vld [tilespmem:s23+$0x170];
	v37 =	vadd.f32 $9.999999960e-13, v37  }
0xba: {  	v36 =	vadd.f32 v49, v39;
	v39 =	vadd.f32 v38, v45;
	v45 =	vmul.f32 v38, v38;
	v49 =	vld [tilespmem:s23+$0x8170]  }
0xbb: {  	v57 =	vmul.f32 v50, v50;
	v59 =	vshra.s32 v37, $0x1;
	v37 =	vmul.f32 $5.000000000e-01, v37  }
0xbc: {  	v36 =	vadd.f32 v45, v36;
	v39 =	vadd.f32 v50, v39;
	v45 =	vsub.s32 $0x5F3759DF, v59  }
0xbd: {  	v40 =	vadd.f32 v40, v22;
	v35 =	vadd.f32 v51, v35;
	v51 =	vmul.f32 v45, v37  }
0xbe: {  	v36 =	vadd.f32 v57, v36;
	v39 =	vadd.f32 v42, v39;
	v57 =	vmul.f32 v42, v42  }
0xbf: {  	v59 =	vadd.f32 v35, v21;
	v35 =	vadd.f32 v49, v56;
	v49 =	vmul.f32 v45, v51  }
0xc0: {  	v51 =	vmul.f32 v40, v40;
	v36 =	vadd.f32 v57, v36;
	v39 =	vadd.f32 v40, v39  }
0xc1: {  	v35 =	vadd.f32 v35, v20;
	v49 =	vsub.f32 $1.500000000e+00, v49  }
0xc2: {  	v36 =	vadd.f32 v51, v36;
	v39 =	vadd.f32 v59, v39;
	v51 =	vmul.f32 v59, v59  }
0xc3: {  	v56 =	vsub.f32 v29, v53;
	v29 =	vmovc v48;
	v57 =	vsub.f32 v31, v53;
	v49 =	vmul.f32 v45, v49  }
0xc4: {  	v31 =	vmovc v52;
	v36 =	vadd.f32 v51, v36;
	v48 =	vadd.f32 v35, v39;
	v39 =	vmul.f32 v35, v35  }
0xc5: {  	v60 =	vsub.f32 v30, v53;
	v30 =	vmovc v38;
	v45 =	vmul.f32 v49, v37;
	v37 =	vsub.f32 v32, v53  }
0xc6: {  	s24 =	sshra.s32 s25, $0x2;
	v38 =	vsub.f32 v28, v53;
	v28 =	vmovc v42;
	v51 =	vadd.f32 v39, v36;
	v52 =	vperm.xlane v48, v0  }
0xc7: {  	v32 =	vmovc v50;
	v39 =	vsub.f32 v33, v53;
	v36 =	vsub.f32 v34, v53;
	v42 =	vld [tilespmem:s24+$0x150];
	v61 =	vmul.f32 v45, v49  }
0xc8: {  	v41 =	vadd.f32 v41, v17;
	v33 =	vmovc v40;
	v45 =	vld [tilespmem:s24+$0x8150];
	v52 =	vadd.f32 v48, v52;
	v62 =	vperm.xlane v51, v0  }
0xc9: {  	v47 =	vadd.f32 v47, v15;
	v34 =	vmov v59;
	v48 =	vld [tilespmem:s24+$0x140];
	v40 =	vsub.f32 $1.500000000e+00, v61  }
0xca: {  	v50 =	vld [tilespmem:s24+$0x8140];
	v59 =	vperm.xlane v52, v1;
	v61 =	vadd.f32 v62, v51;
	[tilespmem:s21+$0x10100] =	vst v41;
	v41 =	vadd.f32 v46, v12  }
.Ltmp0:
0xcb: {  	v44 =	vadd.f32 v44, v11;
	v46 =	vsub.f32 v43, v53;
	v51 =	vld [tilespmem:s24+$0x130];
	v40 =	vmul.f32 v40, v49;
	[tilespmem:s21+$0x10110] =	vst v47;
	(pc) =	sbr.rel @p0 .LBB2_2-.Ltmp0, $4  }
0xcc: {  	v49 =	vadd.f32 v54, v9;
	v53 =	vld [tilespmem:s24+$0x8130];
	v43 =	vadd.f32 v52, v59;
	v47 =	vperm.xlane v61, v1;
	[tilespmem:s21+$0x10120] =	vst v41  }
0xcd: {  	v54 =	vld [tilespmem:s24+$0x120];
	v41 =	vmul.f32 v40, v56;
	v59 =	vmul.f32 v40, v46;
	[tilespmem:s21+$0x10130] =	vst v44;
	v44 =	vadd.f32 v55, v7  }
0xce: {  	v56 =	vld [tilespmem:s24+$0x8120];
	v55 =	vperm.xlane v43, v2;
	v52 =	vadd.f32 v47, v61;
	v47 =	vmul.f32 v40, v57;
	[tilespmem:s21+$0x10140] =	vst v49  }
0xcf: {  	s25 =	sadd.s32 $0x200, s25;
	v46 =	vmul.f32 v40, v60;
	v57 =	vld [tilespmem:s24+$0x100];
	v49 =	vmul.f32 v59, v18;
	[tilespmem:s21+$0x10150] =	vst v44;
	v44 =	vadd.f32 v58, v6  }
0xd0: {  	v58 =	vld [tilespmem:s24+$0x8100]  }
0xd1: {  	v59 =	vld [tilespmem:s24+$0x110]  }
0xd2: {  	v60 =	vld [tilespmem:s24+$0x8110];
	_ =	sdelay $0x2  }
0xd3: {  	v57 =	vadd.f32 v58, v57;
	_ =	sdelay $0x1  }
0xd4: {  	v61 =	vadd.f32 v60, v59;
	v27 =	vadd.f32 v57, v27  }
0xd5: {  	v54 =	vadd.f32 v56, v54  }
0xd6: {  	v26 =	vadd.f32 v61, v26;
	v62 =	vadd.f32 $0.0e+00, v27  }
0xd7: {  	v51 =	vadd.f32 v53, v51;
	v53 =	vld [tilespmem:s24+$0x160];
	v25 =	vadd.f32 v54, v25  }
0xd8: {  	v58 =	vld [tilespmem:s24+$0x8160];
	v63 =	vmul.f32 v27, v27;
	v57 =	vmul.f32 v26, v26;
	v56 =	vadd.f32 v26, v62  }
0xd9: {  	v48 =	vadd.f32 v50, v48;
	v50 =	vld [tilespmem:s24+$0x170];
	v24 =	vadd.f32 v51, v24  }
0xda: {  	v60 =	vadd.f32 v57, v63;
	v62 =	vmul.f32 v25, v25;
	v57 =	vld [tilespmem:s24+$0x8170];
	v61 =	vadd.f32 v25, v56  }
0xdb: {  	v42 =	vadd.f32 v45, v42;
	v23 =	vadd.f32 v48, v23  }
0xdc: {  	v63 =	vmul.f32 v24, v24;
	v59 =	vadd.f32 v62, v60;
	v60 =	vadd.f32 v24, v61  }
0xdd: {  	v22 =	vadd.f32 v42, v22;
	v61 =	vadd.f32 v58, v53  }
0xde: {  	v45 =	vadd.f32 v63, v59;
	v63 =	vmul.f32 v23, v23;
	v62 =	vadd.f32 v23, v60  }
0xdf: {  	v54 =	vadd.f32 v57, v50;
	v21 =	vadd.f32 v61, v21  }
0xe0: {  	v56 =	vmul.f32 v22, v22;
	v45 =	vadd.f32 v63, v45;
	v48 =	vadd.f32 v22, v62  }
0xe1: {  	v20 =	vadd.f32 v54, v20  }
0xe2: {  	v57 =	vadd.f32 v56, v45;
	v59 =	vmul.f32 v21, v21;
	v58 =	vadd.f32 v21, v48;
	_ =	sdelay $0x1  }
0xe3: {  	v61 =	vmul.f32 v20, v20;
	v42 =	vadd.f32 v59, v57;
	v45 =	vadd.f32 v20, v58;
	_ =	sdelay $0x1  }
0xe4: {  	v42 =	vadd.f32 v61, v42;
	v63 =	vperm.xlane v45, v0  }
0xe5: {  	v43 =	vadd.f32 v43, v55;
	v60 =	vperm.xlane v52, v2  }
0xe6: {  	v55 =	vperm.xlane v42, v0;
	v45 =	vadd.f32 v45, v63  }
0xe7: {  	v62 =	vperm.xlane v43, v3;
	v50 =	vadd.f32 v60, v52  }
0xe8: {  	v42 =	vadd.f32 v55, v42;
	v56 =	vperm.xlane v45, v1  }
0xe9: {  	v43 =	vadd.f32 v43, v62;
	v54 =	vperm.xlane v50, v3  }
0xea: {  	v59 =	vperm.xlane v42, v1;
	v45 =	vadd.f32 v45, v56  }
0xeb: {  	v43 =	vmul.f32 $7.812500000e-03, v43;
	v50 =	vadd.f32 v54, v50  }
0xec: {  	v42 =	vadd.f32 v59, v42;
	v60 =	vperm.xlane v45, v2  }
0xed: {  	v57 =	vmul.f32 $7.812500000e-03, v50;
	v58 =	vmul.f32 v43, v43  }
0xee: {  	v61 =	vperm.xlane v42, v2;
	v45 =	vadd.f32 v45, v60  }
0xef: {  	v48 =	vsub.f32 v57, v58  }
0xf0: {  	v42 =	vadd.f32 v61, v42;
	v63 =	vperm.xlane v45, v3  }
0xf1: {  	v37 =	vmul.f32 v40, v37;
	v38 =	vmul.f32 v40, v38;
	v48 =	vadd.f32 $9.999999960e-13, v48  }
0xf2: {  	v39 =	vmul.f32 v40, v39;
	v57 =	vperm.xlane v42, v3;
	v45 =	vadd.f32 v45, v63  }
0xf3: {  	v36 =	vmul.f32 v40, v36;
	v62 =	vshra.s32 v48, $0x1;
	v48 =	vmul.f32 $5.000000000e-01, v48  }
0xf4: {  	v51 =	vsub.s32 $0x5F3759DF, v62;
	v42 =	vadd.f32 v57, v42;
	v45 =	vmul.f32 $7.812500000e-03, v45  }
0xf5: {  	v41 =	vmul.f32 v41, v16;
	v56 =	vmul.f32 v51, v48  }
0xf6: {  	v42 =	vmul.f32 $7.812500000e-03, v42;
	v59 =	vmul.f32 v45, v45  }
0xf7: {  	v47 =	vmul.f32 v47, v14;
	v49 =	vadd.f32 v49, v19;
	v50 =	vmul.f32 v51, v56  }
0xf8: {  	v37 =	vmul.f32 v37, v10;
	v38 =	vmul.f32 v38, v8;
	v42 =	vsub.f32 v42, v59  }
0xf9: {  	v39 =	vmul.f32 v39, v5;
	v41 =	vadd.f32 v41, v17;
	v58 =	vsub.f32 $1.500000000e+00, v50  }
0xfa: {  	v36 =	vmul.f32 v36, v4;
	v47 =	vadd.f32 v47, v15;
	v42 =	vadd.f32 $9.999999960e-13, v42  }
0xfb: {  	v37 =	vadd.f32 v37, v11;
	v38 =	vadd.f32 v38, v9;
	v40 =	vmul.f32 v51, v58  }
0xfc: {  	v39 =	vadd.f32 v39, v7;
	v60 =	vshra.s32 v42, $0x1;
	v42 =	vmul.f32 $5.000000000e-01, v42  }
0xfd: {  	v36 =	vadd.f32 v36, v6;
	v48 =	vmul.f32 v40, v48;
	v50 =	vsub.s32 $0x5F3759DF, v60  }
0xfe: {  	v29 =	vsub.f32 v29, v43;
	v31 =	vsub.f32 v31, v43;
	v61 =	vmul.f32 v50, v42  }
0xff: {  	v30 =	vsub.f32 v30, v43;
	v32 =	vsub.f32 v32, v43;
	v48 =	vmul.f32 v48, v40  }
0x100: {  	v28 =	vsub.f32 v28, v43;
	v35 =	vsub.f32 v35, v43;
	v62 =	vmul.f32 v50, v61  }
0x101: {  	v46 =	vmul.f32 v46, v13;
	v33 =	vsub.f32 v33, v43;
	v48 =	vsub.f32 $1.500000000e+00, v48  }
0x102: {  	v34 =	vsub.f32 v34, v43;
	v43 =	vsub.f32 $1.500000000e+00, v62  }
0x103: {  	[tilespmem:s21+$0x10160] =	vst v44;
	v63 =	vadd.f32 v46, v12;
	v27 =	vsub.f32 v27, v45;
	v40 =	vmul.f32 v48, v40  }
0x104: {  	[tilespmem:s22+$0x10170] =	vst v49;
	v26 =	vsub.f32 v26, v45;
	v25 =	vsub.f32 v25, v45;
	v43 =	vmul.f32 v50, v43  }
0x105: {  	[tilespmem:s22+$0x10100] =	vst v41;
	v24 =	vsub.f32 v24, v45;
	v35 =	vmul.f32 v40, v35;
	v29 =	vmul.f32 v40, v29  }
0x106: {  	[tilespmem:s22+$0x10110] =	vst v47;
	v20 =	vsub.f32 v20, v45;
	v31 =	vmul.f32 v40, v31;
	v46 =	vmul.f32 v43, v42  }
0x107: {  	[tilespmem:s22+$0x10130] =	vst v37;
	v23 =	vsub.f32 v23, v45;
	v30 =	vmul.f32 v40, v30;
	v28 =	vmul.f32 v40, v28  }
0x108: {  	[tilespmem:s22+$0x10140] =	vst v38;
	v22 =	vsub.f32 v22, v45;
	v35 =	vmul.f32 v35, v18;
	v47 =	vmul.f32 v46, v43  }
0x109: {  	[tilespmem:s22+$0x10150] =	vst v39;
	v21 =	vsub.f32 v21, v45;
	v33 =	vmul.f32 v40, v33;
	v29 =	vmul.f32 v29, v16  }
0x10a: {  	[tilespmem:s22+$0x10160] =	vst v36;
	v31 =	vmul.f32 v31, v14;
	v35 =	vadd.f32 v35, v19;
	v37 =	vsub.f32 $1.500000000e+00, v47  }
0x10b: {  	[tilespmem:s22+$0x10120] =	vst v63;
	v34 =	vmul.f32 v40, v34;
	v30 =	vmul.f32 v30, v13;
	v29 =	vadd.f32 v29, v17  }
0x10c: {  	v28 =	vmul.f32 v28, v8;
	v31 =	vadd.f32 v31, v15;
	[tilespmem:s23+$0x10170] =	vst v35;
	v48 =	vmul.f32 v37, v43  }
0x10d: {  	v32 =	vmul.f32 v40, v32;
	v33 =	vmul.f32 v33, v5;
	v49 =	vadd.f32 v30, v12;
	[tilespmem:s23+$0x10100] =	vst v29  }
0x10e: {  	v34 =	vmul.f32 v34, v4;
	v28 =	vadd.f32 v28, v9;
	[tilespmem:s23+$0x10110] =	vst v31;
	v20 =	vmul.f32 v48, v20  }
0x10f: {  	v32 =	vmul.f32 v32, v10;
	v51 =	vadd.f32 v33, v7;
	[tilespmem:s23+$0x10120] =	vst v49;
	v27 =	vmul.f32 v48, v27  }
0x110: {  	v54 =	vadd.f32 v34, v6;
	[tilespmem:s23+$0x10140] =	vst v28;
	v26 =	vmul.f32 v48, v26;
	v52 =	vmul.f32 v20, v18  }
0x111: {  	[tilespmem:s23+$0x10150] =	vst v51;
	v50 =	vadd.f32 v32, v11;
	v53 =	vmul.f32 v48, v25;
	v55 =	vmul.f32 v27, v16  }
0x112: {  	[tilespmem:s23+$0x10160] =	vst v54;
	v24 =	vmul.f32 v48, v24;
	v56 =	vmul.f32 v26, v14;
	v18 =	vadd.f32 v52, v19  }
0x113: {  	[tilespmem:s23+$0x10130] =	vst v50;
	v57 =	vmul.f32 v48, v23;
	v58 =	vmul.f32 v53, v13;
	v16 =	vadd.f32 v55, v17  }
0x114: {  	v59 =	vmul.f32 v48, v22;
	v60 =	vmul.f32 v24, v10;
	v14 =	vadd.f32 v56, v15;
	[tilespmem:s24+$0x10170] =	vst v18  }
0x115: {  	v61 =	vmul.f32 v48, v21;
	v62 =	vmul.f32 v57, v8;
	v63 =	vadd.f32 v58, v12;
	[tilespmem:s24+$0x10100] =	vst v16  }
0x116: {  	v5 =	vmul.f32 v59, v5;
	v10 =	vadd.f32 v60, v11;
	[tilespmem:s24+$0x10110] =	vst v14  }
0x117: {  	v4 =	vmul.f32 v61, v4;
	v8 =	vadd.f32 v62, v9;
	[tilespmem:s24+$0x10120] =	vst v63  }
0x118: {  	v5 =	vadd.f32 v5, v7;
	[tilespmem:s24+$0x10130] =	vst v10  }
0x119: {  	s20 =	sadd.s32 $0x1, s20;
	v4 =	vadd.f32 v4, v6;
	[tilespmem:s24+$0x10140] =	vst v8  }
0x11a: {  	p0 =	sne.s32 s20, s8;
	[tilespmem:s24+$0x10150] =	vst v5  }
.Ltmp1:
0x11b: {  	[tilespmem:s24+$0x10160] =	vst v4;
	(pc) =	sbr.rel @p0 .LBB2_1-.Ltmp1, $4  }
0x11c: {  	[hbm4b:s7+s2] =	stream.linear.scatter [tilespmem:s18], [sflag:$0x2], $0x8000, $0x38;
	[tilespmem:$0x18280] =	vst v63  }
0x11d: {  	_ =	swait.ge [sflag:s19], $0x8000  }
0x11e: {  	[sflag:s19] =	ssyncset.done $0x0  }
0x11f: {  	[sflag:s19] =	ssyncadd.s32 $0xFFFF8000  }
0x120: {  	_ =	sfence.sel $0x180000  }
0x121: {  	[bflag:$0x0] =	sbarrier.arrive $0xFFFF  }
0x122: {  	p0 =	sne.s32 s3, $0x0;
	_ =	strace $0x90000047  }
0x123: {  	s0 =	sadd.s32 @!p0 $0x100000, s0;
	[bflag:$0x2] =	sbarrier.arrive $0xFFFF  }
0x124: {  	[sflag:s0] =	ssyncadd.tile.s32 @!p0 $0x1;
	_ =	shalt  }
.Lfunc_end2:
_tile_overlayer_lowered:
.L_overlay_start_2:
0x125: {  	(tag) =	ssettag $0x2  }
0x126: {  	s0 =	rddreg [dreg:$0x0];
	s2 =	stileid.u32  }
0x127: {  	s1 =	rddreg [dreg:$0x1];
	p0 =	sne.s32 s2, $0x0  }
0x128: {  	s3 =	rddreg [dreg:$0x2];
	[bflag:$0x3] =	sbarrier.arrive $0xFFFF;
	s2 =	simm.s32 @!p0 $0x1C04  }
0x129: {  	[timem:s3], [sflag:s2] =	dma.local @!p0 [hbm:s0], s1  }
0x12a: {  	s0 =	simm.s32 @!p0 $0x4  }
0x12b: {  	_ =	swait.ge @!p0 [sflag:s0], s1  }
0x12c: {  	s1 =	ssub.s32 @!p0 $0x0, s1;
	[sflag:s0] =	ssyncset.done @!p0 $0x0  }
0x12d: {  	[sflag:s0] =	ssyncadd.s32 @!p0 s1  }
0x12e: {  	[bflag:$0x3] =	sbarrier.arrive $0xFFFF  }
0x12f: {  	_ =	shalt  }

</sc_bundles>
